<compile_context>
chip_gen: v7x
topology: tpu7x:2x2x1
jax: 0.10.2.dev20260603
libtpu: 0.0.44.dev20260713+nightly
codegen_flags: <defaults>
</compile_context>

<pallas_src>
import dataclasses
import functools

import jax
import jax.numpy as jnp
from jax import lax
from jax.experimental import pallas as pl
from jax.experimental.pallas import tpu as pltpu
from jax.experimental.pallas import tpu_sc as plsc

_NC = 2
_NS = 16
_NT = _NC * _NS
_B = 128
_L = 16
_BR = 1024


def _sc_mesh():
    return plsc.VectorSubcoreMesh(core_axis_name="c", subcore_axis_name="s")


def _no_layout_params():
    cp = pltpu.CompilerParams()
    if "needs_layout_passes" in pltpu.CompilerParams.__dataclass_fields__:
        cp = dataclasses.replace(cp, needs_layout_passes=False)
    return cp


def _build_hist(npad, nb):
    rows_pt = npad // _NS
    half = npad // 2
    ne = nb * _B

    @functools.partial(
        pl.kernel, mesh=_sc_mesh(),
        compiler_params=_no_layout_params(),
        out_type=(jax.ShapeDtypeStruct((_NC, npad), jnp.float32),
                  jax.ShapeDtypeStruct((_NC, npad), jnp.float32),
                  jax.ShapeDtypeStruct((_NC, _NT, ne), jnp.int32),
                  jax.ShapeDtypeStruct((_NC, _NT, ne), jnp.int32),
                  jax.ShapeDtypeStruct((_NT, _L), jnp.int32)),
        scratch_types=[
            pltpu.VMEM((nb, _B), jnp.int32),
            pltpu.VMEM((nb, _B), jnp.int32),
            pltpu.VMEM((npad + _L,), jnp.float32),
            pltpu.VMEM((npad + _L,), jnp.float32),
            pltpu.VMEM((_NS, rows_pt), jnp.float32),
            pltpu.VMEM((rows_pt,), jnp.float32),
            pltpu.VMEM((ne + _L,), jnp.int32),
            pltpu.VMEM((ne + _L,), jnp.int32),
            pltpu.VMEM((ne + _L,), jnp.int32),
            pltpu.VMEM((ne + _L,), jnp.int32),
            pltpu.VMEM((_L,), jnp.int32),
            pltpu.VMEM_SHARED((_NS, npad), jnp.float32),
        ])
    def hist(src_hbm, dst_hbm, dsrc_hbm, ddst_hbm, srcc_hbm, dstc_hbm,
             nblk_hbm, src_v, dst_v, hs_v, hd_v, red_v, out_v,
             sc0_v, sc1_v, dc0_v, dc1_v, cnt_v, stage_sh):
        c = lax.axis_index("c")
        s = lax.axis_index("s")
        w = c * _NS + s
        pltpu.sync_copy(src_hbm.at[w], src_v)
        pltpu.sync_copy(dst_hbm.at[w], dst_v)

        zeros = jnp.zeros((_L,), jnp.float32)
        ones = jnp.ones((_L,), jnp.float32)
        n_dummy = jnp.full((_L,), npad - 8, jnp.int32)
        h_dummy = jnp.full((_L,), half, jnp.int32)

        @pl.loop(0, (npad + _L) // _L)
        def _(j):
            hs_v[pl.ds(j * _L, _L)] = zeros
            hd_v[pl.ds(j * _L, _L)] = zeros

        sc_b = (sc0_v, sc1_v)
        dc_b = (dc0_v, dc1_v)

        @pl.loop(0, (ne + _L) // _L)
        def _(j):
            for cc in range(_NC):
                sc_b[cc][pl.ds(j * _L, _L)] = n_dummy
                dc_b[cc][pl.ds(j * _L, _L)] = h_dummy

        @pl.loop(0, nb)
        def _(j):
            @pl.loop(0, _B // _L)
            def _(k):
                plsc.addupdate_scatter(hs_v, [src_v[j, pl.ds(k * _L, _L)]],
                                       ones)
                plsc.addupdate_scatter(hd_v, [dst_v[j, pl.ds(k * _L, _L)]],
                                       ones)

        def _cbody(i, offs):
            jj = i // (_B // _L)
            kk = i % (_B // _L)
            sv = src_v[jj, pl.ds(kk * _L, _L)]
            dv = dst_v[jj, pl.ds(kk * _L, _L)]
            new = []
            for cc in range(_NC):
                lv = dv - cc * half
                ok = (lv >= 0) & (lv < half)
                plsc.store_compressed(sc_b[cc].at[pl.ds(offs[cc], _L)],
                                      sv, mask=ok)
                plsc.store_compressed(dc_b[cc].at[pl.ds(offs[cc], _L)],
                                      lv, mask=ok)
                new.append(offs[cc] + jnp.sum(ok.astype(jnp.int32)))
            return tuple(new)

        offs = lax.fori_loop(0, nb * (_B // _L), _cbody,
                             tuple(jnp.int32(0) for _ in range(_NC)))

        iot = lax.iota(jnp.int32, _L)
        cvec = jnp.zeros((_L,), jnp.int32)
        for cc in range(_NC):
            nbl = jnp.maximum(2, (((offs[cc] + _B - 1) // _B) + 1) // 2 * 2)
            cvec = jnp.where(iot == cc, nbl, cvec)
        cnt_v[...] = cvec
        pltpu.sync_copy(cnt_v, nblk_hbm.at[w])
        for cc in range(_NC):
            pltpu.sync_copy(sc_b[cc].at[pl.ds(0, ne)], srcc_hbm.at[cc, w])
            pltpu.sync_copy(dc_b[cc].at[pl.ds(0, ne)], dstc_hbm.at[cc, w])

        for hloc, out_hbm in ((hs_v, dsrc_hbm), (hd_v, ddst_hbm)):
            pltpu.sync_copy(hloc.at[pl.ds(0, npad)], stage_sh.at[s])
            plsc.subcore_barrier()
            for t in range(_NS):
                pltpu.sync_copy(stage_sh.at[t, pl.ds(s * rows_pt, rows_pt)],
                                red_v.at[t])

            @pl.loop(0, rows_pt // _L)
            def _(j):
                sl = pl.ds(j * _L, _L)
                acc = red_v[0, sl]
                for t in range(1, _NS):
                    acc = acc + red_v[t, sl]
                out_v[sl] = acc

            pltpu.sync_copy(out_v, out_hbm.at[c, pl.ds(s * rows_pt, rows_pt)])
            plsc.subcore_barrier()

    return hist


def _build_prop(npad, nb, d):
    half = npad // 2
    hpad = half + 8
    rows_pt = half // _NS

    @functools.partial(
        pl.kernel, mesh=_sc_mesh(),
        compiler_params=_no_layout_params(),
        out_type=jax.ShapeDtypeStruct((npad, d), jnp.float32),
        scratch_types=[
            pltpu.VMEM((2 * nb, _B), jnp.int32),
            pltpu.VMEM((2 * nb, _B), jnp.int32),
            pltpu.VMEM((2, _B, d), jnp.float32),
            pltpu.VMEM((2, _L), jnp.int32),
            pltpu.VMEM_SHARED((hpad, d), jnp.float32),
            pltpu.SemaphoreType.DMA,
            pltpu.SemaphoreType.DMA,
            pltpu.SemaphoreType.DMA,
            pltpu.SemaphoreType.DMA,
        ])
    def prop(h_hbm, src_hbm, dst_hbm, nblk_hbm, zpad_hbm, agg_hbm,
             src_v, dst_v, rows_v, cnt_v, agg_sh, g0, g1, s0, s1):
        c = lax.axis_index("c")
        s = lax.axis_index("s")
        lo = c * half
        pltpu.sync_copy(nblk_hbm.at[2 * s], cnt_v.at[0])
        pltpu.sync_copy(nblk_hbm.at[2 * s + 1], cnt_v.at[1])
        iot = lax.iota(jnp.int32, _L)
        nb0 = jnp.sum(jnp.where(iot == c, cnt_v[0, :], 0))
        nb1 = jnp.sum(jnp.where(iot == c, cnt_v[1, :], 0))
        total = nb0 + nb1
        pltpu.sync_copy(src_hbm.at[c, 2 * s], src_v.at[pl.ds(0, nb)])
        pltpu.sync_copy(dst_hbm.at[c, 2 * s], dst_v.at[pl.ds(0, nb)])
        pltpu.sync_copy(src_hbm.at[c, 2 * s + 1], src_v.at[pl.ds(nb0, nb)])
        pltpu.sync_copy(dst_hbm.at[c, 2 * s + 1], dst_v.at[pl.ds(nb0, nb)])

        pltpu.sync_copy(zpad_hbm, agg_sh.at[pl.ds(s * rows_pt, rows_pt)])

        @pl.when(s == _NS - 1)
        def _():
            pltpu.sync_copy(zpad_hbm.at[pl.ds(0, 8)],
                            agg_sh.at[pl.ds(half, 8)])

        plsc.subcore_barrier()

        last = total - 1
        pltpu.async_copy(h_hbm.at[src_v.at[0]], rows_v.at[0], g0)
        pltpu.async_copy(h_hbm.at[src_v.at[1]], rows_v.at[1], g1)

        def _pbody(i, _):
            j = 2 * i
            pltpu.make_async_copy(h_hbm.at[src_v.at[j]], rows_v.at[0],
                                  g0).wait()
            pltpu.async_copy(rows_v.at[0], agg_sh.at[dst_v.at[j]], s0,
                             add=True)
            pltpu.make_async_copy(h_hbm.at[src_v.at[j + 1]], rows_v.at[1],
                                  g1).wait()
            pltpu.async_copy(rows_v.at[1], agg_sh.at[dst_v.at[j + 1]], s1,
                             add=True)
            jn0 = jnp.minimum(j + 2, last)
            jn1 = jnp.minimum(j + 3, last)
            pltpu.make_async_copy(rows_v.at[0], agg_sh.at[dst_v.at[j]],
                                  s0).wait()
            pltpu.async_copy(h_hbm.at[src_v.at[jn0]], rows_v.at[0], g0)
            pltpu.make_async_copy(rows_v.at[1], agg_sh.at[dst_v.at[j + 1]],
                                  s1).wait()
            pltpu.async_copy(h_hbm.at[src_v.at[jn1]], rows_v.at[1], g1)
            return 0

        lax.fori_loop(0, total // 2, _pbody, 0)

        pltpu.make_async_copy(h_hbm.at[src_v.at[last]], rows_v.at[0],
                              g0).wait()
        pltpu.make_async_copy(h_hbm.at[src_v.at[last]], rows_v.at[1],
                              g1).wait()

        plsc.subcore_barrier()
        pltpu.sync_copy(agg_sh.at[pl.ds(s * rows_pt, rows_pt)],
                        agg_hbm.at[pl.ds(lo + s * rows_pt, rows_pt)])

    return prop


def _norm_col(dref):
    d = dref[0, :, 0:1] + dref[1, :, 0:1]
    return jnp.where(d > 0, lax.rsqrt(d), 0.0)


def _dot(a, b):
    return jnp.dot(a, b, preferred_element_type=jnp.float32,
                   precision=lax.Precision.HIGHEST)


def _prescale_body(x_ref, dsrc_ref, o_ref):
    o_ref[...] = x_ref[...] * _norm_col(dsrc_ref)


def _mid_body(agg_ref, ddst_ref, dsrc_ref, w_ref, b_ref, o_ref):
    a = agg_ref[...] * _norm_col(ddst_ref)
    h = jnp.maximum(_dot(a, w_ref[...]) + b_ref[...], 0.0)
    o_ref[...] = h * _norm_col(dsrc_ref)


def _fin_body(agg_ref, ddst_ref, w_ref, b_ref, wc_ref, bc_ref, o_ref):
    a = agg_ref[...] * _norm_col(ddst_ref)
    h = jnp.maximum(_dot(a, w_ref[...]) + b_ref[...], 0.0)
    o_ref[...] = _dot(h, wc_ref[...]) + bc_ref[...]


def kernel(features, edge_index, W1, b1, W2, b2, Wc, bc):
    n, d = features.shape
    e = edge_index.shape[1]
    h = W1.shape[1]
    c_out = Wc.shape[1]
    npad = -(-(n + 1) // 2048) * 2048
    rows_pt = npad // _NS
    nb = -(-e // (_NT * _B))
    nb += nb % 2
    epad = _NT * nb * _B

    src = (jnp.full((epad,), npad, jnp.int32).at[:e].set(edge_index[0])
           .reshape(_NT, nb, _B))
    dst = (jnp.full((epad,), npad, jnp.int32).at[:e].set(edge_index[1])
           .reshape(_NT, nb, _B))
    featp = jnp.zeros((npad, d), jnp.float32).at[:n, :].set(features)
    zd = jnp.zeros((npad // 2 // _NS, d), jnp.float32)

    hist = _build_hist(npad, nb)
    prop = jax.jit(_build_prop(npad, nb, d))
    dsrc, ddst, srcc, dstc, nblk = hist(src, dst)
    dsrc = dsrc.reshape(_NC, npad, 1)
    ddst = ddst.reshape(_NC, npad, 1)
    srcc = srcc.reshape(_NC, _NT, nb, _B)
    dstc = dstc.reshape(_NC, _NT, nb, _B)

    grid = (npad // _BR,)
    deg_spec = pl.BlockSpec((_NC, _BR, 1), lambda i: (0, i, 0))
    row_spec = pl.BlockSpec((_BR, d), lambda i: (i, 0))
    w_spec = pl.BlockSpec((d, h), lambda i: (0, 0))
    b_spec = pl.BlockSpec((1, h), lambda i: (0, 0))

    h0 = pl.pallas_call(
        _prescale_body, grid=grid,
        in_specs=[row_spec, deg_spec],
        out_specs=row_spec,
        out_shape=jax.ShapeDtypeStruct((npad, d), jnp.float32),
    )(featp, dsrc)

    agg1 = prop(h0, srcc, dstc, nblk, zd)

    h1 = pl.pallas_call(
        _mid_body, grid=grid,
        in_specs=[row_spec, deg_spec, deg_spec, w_spec, b_spec],
        out_specs=row_spec,
        out_shape=jax.ShapeDtypeStruct((npad, h), jnp.float32),
    )(agg1, ddst, dsrc, W1, b1.reshape(1, h))

    agg2 = prop(h1, srcc, dstc, nblk, zd)

    out = pl.pallas_call(
        _fin_body, grid=grid,
        in_specs=[row_spec, deg_spec, w_spec, b_spec,
                  pl.BlockSpec((h, c_out), lambda i: (0, 0)),
                  pl.BlockSpec((1, c_out), lambda i: (0, 0))],
        out_specs=pl.BlockSpec((_BR, c_out), lambda i: (i, 0)),
        out_shape=jax.ShapeDtypeStruct((npad, c_out), jnp.float32),
    )(agg2, ddst, W2, b2.reshape(1, h), Wc, bc.reshape(1, c_out))

    return out[:n]

# --- scband reference (transcript-rebuilt; emitter-appended) ---
"""Pipeline reference for scband-gcnmodel-56942676410567 (READ-ONLY COPY).

The authoritative reference and input builder live on the scoring server;
editing this copy changes nothing except your own understanding.
"""

import jax, jax.numpy as jnp
import numpy as np

N = 10000
E = 320000
D = 128
H = 128
C = 64


def setup_inputs(seed: int = 0) -> dict:
    key = jax.random.key(seed)
    ks = jax.random.split(key, 8)
    features = jax.random.normal(ks[0], (N, D), dtype=jnp.float32)
    edge_index = jax.random.randint(ks[1], (2, E), 0, N, dtype=jnp.int32)
    s1 = 1.0 / np.sqrt(D)
    s2 = 1.0 / np.sqrt(H)
    W1 = jax.random.uniform(ks[2], (D, H), dtype=jnp.float32, minval=-s1, maxval=s1)
    b1 = jnp.zeros((H,), dtype=jnp.float32)
    W2 = jax.random.uniform(ks[3], (H, H), dtype=jnp.float32, minval=-s2, maxval=s2)
    b2 = jnp.zeros((H,), dtype=jnp.float32)
    Wc = jax.random.uniform(ks[4], (H, C), dtype=jnp.float32, minval=-s2, maxval=s2)
    bc = jax.random.uniform(ks[5], (C,), dtype=jnp.float32, minval=-s2, maxval=s2)
    return {"features": features, "edge_index": edge_index, "W1": W1, "b1": b1, "W2": W2, "b2": b2, "Wc": Wc, "bc": bc}


def _gcn_conv(x, src, dst, W, b, n_nodes):
    # DGL GraphConv with norm='both': D_out^{-1/2} on src side, D_in^{-1/2} on dst side
    ones = jnp.ones((src.shape[0],), dtype=x.dtype)
    deg_out = jax.ops.segment_sum(ones, src, num_segments=n_nodes)
    deg_in = jax.ops.segment_sum(ones, dst, num_segments=n_nodes)
    norm_src = jnp.where(deg_out > 0, deg_out ** -0.5, 0.0)
    norm_dst = jnp.where(deg_in > 0, deg_in ** -0.5, 0.0)
    h = x * norm_src[:, None]
    msg = jnp.take(h, src, axis=0)
    agg = jax.ops.segment_sum(msg, dst, num_segments=n_nodes)
    agg = agg * norm_dst[:, None]
    return agg @ W + b


def reference(features, edge_index, W1, b1, W2, b2, Wc, bc):
    # eval mode: dropout is identity
    src = edge_index[0]
    dst = edge_index[1]
    n = features.shape[0]
    h = jax.nn.relu(_gcn_conv(features, src, dst, W1, b1, n))
    h = jax.nn.relu(_gcn_conv(h, src, dst, W2, b2, n))
    return h @ Wc + bc

if __name__ == "__main__":
    import jax
    _d = setup_inputs()
    print(jax.jit(kernel)(*tuple(_d.values())))

</pallas_src>

<mosaic_0001>
#map = affine_map<(d0, d1) -> (0, 0)>
#map1 = affine_map<(d0, d1) -> (0, 0, 0, 0)>
module attributes {stable_mosaic.version = 14 : i64} {
  func.func @prop(%arg0: i32, %arg1: i32, %arg2: memref<10240x128xf32, #tpu.memory_space<hbm>>, %arg3: memref<2x32x80x128xi32, #tpu.memory_space<hbm>>, %arg4: memref<2x32x80x128xi32, #tpu.memory_space<hbm>>, %arg5: memref<32x16xi32, #tpu.memory_space<hbm>>, %arg6: memref<320x128xf32, #tpu.memory_space<hbm>>, %arg7: memref<10240x128xf32, #tpu.memory_space<hbm>>, %arg8: memref<160x128xi32, #tpu.memory_space<vmem>>, %arg9: memref<160x128xi32, #tpu.memory_space<vmem>>, %arg10: memref<2x128x128xf32, #tpu.memory_space<vmem>>, %arg11: memref<2x16xi32, #tpu.memory_space<vmem>>, %arg12: memref<5128x128xf32, #tpu.memory_space<vmem_shared>>, %arg13: memref<!tpu.dma_semaphore, #tpu.memory_space<semaphore_mem>>, %arg14: memref<!tpu.dma_semaphore, #tpu.memory_space<semaphore_mem>>, %arg15: memref<!tpu.dma_semaphore, #tpu.memory_space<semaphore_mem>>, %arg16: memref<!tpu.dma_semaphore, #tpu.memory_space<semaphore_mem>>) attributes {dimension_semantics = [#tpu.dimension_semantics<core_parallel>, #tpu.dimension_semantics<subcore_parallel>], iteration_bounds = array<i64: 2, 16>, scalar_prefetch = 0 : i64, scratch_operands = 9 : i64, tpu.core_type = #tpu.core_type<sc_vector_subcore>, window_params = [{transform_indices = #map}, {transform_indices = #map1}, {transform_indices = #map1}, {transform_indices = #map}, {transform_indices = #map}, {transform_indices = #map}]} {
    %mul3A = arith.constant 5120 : i32
    %mul3A_0 = arith.muli %arg0, %mul3A : i32
    %mul3A_1 = arith.constant 2 : i32
    %mul3A_2 = arith.muli %mul3A_1, %arg1 : i32
    %run_scoped3A = arith.constant 0 : i32
    "tpu.region"() ({
      %run_scoped3A_126 = tpu.sem_alloc : memref<!tpu.dma_semaphore, #tpu.memory_space<semaphore_mem>>
      %dma_start3A_127 = arith.constant 0 : i32
      %dma_start3A_128 = tpu.memref_slice %arg11[%run_scoped3A, %dma_start3A_127] : memref<2x16xi32, #tpu.memory_space<vmem>> -> memref<1x16xi32, #tpu.memory_space<vmem>>
      %dma_start3A_129 = tpu.memref_squeeze %dma_start3A_128 : memref<1x16xi32, #tpu.memory_space<vmem>> -> memref<16xi32, #tpu.memory_space<vmem>>
      %dma_start3A_130 = arith.constant 0 : i32
      %dma_start3A_131 = tpu.memref_slice %arg5[%mul3A_2, %dma_start3A_130] : memref<32x16xi32, #tpu.memory_space<hbm>> -> memref<1x16xi32, #tpu.memory_space<hbm>>
      %dma_start3A_132 = tpu.memref_squeeze %dma_start3A_131 : memref<1x16xi32, #tpu.memory_space<hbm>> -> memref<16xi32, #tpu.memory_space<hbm>>
      %dma_start3A_133 = arith.constant 0 : i32
      %dma_start3A_134 = tpu.memref_slice %arg11[%run_scoped3A, %dma_start3A_133] : memref<2x16xi32, #tpu.memory_space<vmem>> -> memref<1x16xi32, #tpu.memory_space<vmem>>
      %dma_start3A_135 = tpu.memref_squeeze %dma_start3A_134 : memref<1x16xi32, #tpu.memory_space<vmem>> -> memref<16xi32, #tpu.memory_space<vmem>>
      %dma_start3A_136 = arith.constant 0 : i32
      %dma_start3A_137 = tpu.memref_slice %arg5[%mul3A_2, %dma_start3A_136] : memref<32x16xi32, #tpu.memory_space<hbm>> -> memref<1x16xi32, #tpu.memory_space<hbm>>
      %dma_start3A_138 = tpu.memref_squeeze %dma_start3A_137 : memref<1x16xi32, #tpu.memory_space<hbm>> -> memref<16xi32, #tpu.memory_space<hbm>>
      tpu.enqueue_dma source(%dma_start3A_138 : memref<16xi32, #tpu.memory_space<hbm>>) target(%dma_start3A_135 : memref<16xi32, #tpu.memory_space<vmem>>) target_semaphore(%run_scoped3A_126 : memref<!tpu.dma_semaphore, #tpu.memory_space<semaphore_mem>>)
      %dma_wait3A_139 = arith.constant 0 : i32
      %dma_wait3A_140 = tpu.memref_slice %arg11[%run_scoped3A, %dma_wait3A_139] : memref<2x16xi32, #tpu.memory_space<vmem>> -> memref<1x16xi32, #tpu.memory_space<vmem>>
      %dma_wait3A_141 = tpu.memref_squeeze %dma_wait3A_140 : memref<1x16xi32, #tpu.memory_space<vmem>> -> memref<16xi32, #tpu.memory_space<vmem>>
      %dma_wait3A_142 = arith.constant 0 : i32
      %dma_wait3A_143 = tpu.memref_slice %arg5[%mul3A_2, %dma_wait3A_142] : memref<32x16xi32, #tpu.memory_space<hbm>> -> memref<1x16xi32, #tpu.memory_space<hbm>>
      %dma_wait3A_144 = tpu.memref_squeeze %dma_wait3A_143 : memref<1x16xi32, #tpu.memory_space<hbm>> -> memref<16xi32, #tpu.memory_space<hbm>>
      %dma_wait3A_145 = arith.constant 0 : i32
      %dma_wait3A_146 = tpu.memref_slice %arg11[%run_scoped3A, %dma_wait3A_145] : memref<2x16xi32, #tpu.memory_space<vmem>> -> memref<1x16xi32, #tpu.memory_space<vmem>>
      %dma_wait3A_147 = tpu.memref_squeeze %dma_wait3A_146 : memref<1x16xi32, #tpu.memory_space<vmem>> -> memref<16xi32, #tpu.memory_space<vmem>>
      %dma_wait3A_148 = arith.constant 0 : i32
      %dma_wait3A_149 = tpu.memref_slice %arg5[%mul3A_2, %dma_wait3A_148] : memref<32x16xi32, #tpu.memory_space<hbm>> -> memref<1x16xi32, #tpu.memory_space<hbm>>
      %dma_wait3A_150 = tpu.memref_squeeze %dma_wait3A_149 : memref<1x16xi32, #tpu.memory_space<hbm>> -> memref<16xi32, #tpu.memory_space<hbm>>
      tpu.wait_dma2 semaphore(%run_scoped3A_126 : memref<!tpu.dma_semaphore, #tpu.memory_space<semaphore_mem>>) src(%dma_wait3A_150 : memref<16xi32, #tpu.memory_space<hbm>>) dst(%dma_wait3A_147 : memref<16xi32, #tpu.memory_space<vmem>>)
      tpu.yield
    }) : () -> ()
    %mul3A_3 = arith.constant 2 : i32
    %mul3A_4 = arith.muli %mul3A_3, %arg1 : i32
    %add3A = arith.constant 1 : i32
    %add3A_5 = arith.addi %mul3A_4, %add3A : i32
    %run_scoped3A_6 = arith.constant 1 : i32
    "tpu.region"() ({
      %run_scoped3A_126 = tpu.sem_alloc : memref<!tpu.dma_semaphore, #tpu.memory_space<semaphore_mem>>
      %dma_start3A_127 = arith.constant 0 : i32
      %dma_start3A_128 = tpu.memref_slice %arg11[%run_scoped3A_6, %dma_start3A_127] : memref<2x16xi32, #tpu.memory_space<vmem>> -> memref<1x16xi32, #tpu.memory_space<vmem>>
      %dma_start3A_129 = tpu.memref_squeeze %dma_start3A_128 : memref<1x16xi32, #tpu.memory_space<vmem>> -> memref<16xi32, #tpu.memory_space<vmem>>
      %dma_start3A_130 = arith.constant 0 : i32
      %dma_start3A_131 = tpu.memref_slice %arg5[%add3A_5, %dma_start3A_130] : memref<32x16xi32, #tpu.memory_space<hbm>> -> memref<1x16xi32, #tpu.memory_space<hbm>>
      %dma_start3A_132 = tpu.memref_squeeze %dma_start3A_131 : memref<1x16xi32, #tpu.memory_space<hbm>> -> memref<16xi32, #tpu.memory_space<hbm>>
      %dma_start3A_133 = arith.constant 0 : i32
      %dma_start3A_134 = tpu.memref_slice %arg11[%run_scoped3A_6, %dma_start3A_133] : memref<2x16xi32, #tpu.memory_space<vmem>> -> memref<1x16xi32, #tpu.memory_space<vmem>>
      %dma_start3A_135 = tpu.memref_squeeze %dma_start3A_134 : memref<1x16xi32, #tpu.memory_space<vmem>> -> memref<16xi32, #tpu.memory_space<vmem>>
      %dma_start3A_136 = arith.constant 0 : i32
      %dma_start3A_137 = tpu.memref_slice %arg5[%add3A_5, %dma_start3A_136] : memref<32x16xi32, #tpu.memory_space<hbm>> -> memref<1x16xi32, #tpu.memory_space<hbm>>
      %dma_start3A_138 = tpu.memref_squeeze %dma_start3A_137 : memref<1x16xi32, #tpu.memory_space<hbm>> -> memref<16xi32, #tpu.memory_space<hbm>>
      tpu.enqueue_dma source(%dma_start3A_138 : memref<16xi32, #tpu.memory_space<hbm>>) target(%dma_start3A_135 : memref<16xi32, #tpu.memory_space<vmem>>) target_semaphore(%run_scoped3A_126 : memref<!tpu.dma_semaphore, #tpu.memory_space<semaphore_mem>>)
      %dma_wait3A_139 = arith.constant 0 : i32
      %dma_wait3A_140 = tpu.memref_slice %arg11[%run_scoped3A_6, %dma_wait3A_139] : memref<2x16xi32, #tpu.memory_space<vmem>> -> memref<1x16xi32, #tpu.memory_space<vmem>>
      %dma_wait3A_141 = tpu.memref_squeeze %dma_wait3A_140 : memref<1x16xi32, #tpu.memory_space<vmem>> -> memref<16xi32, #tpu.memory_space<vmem>>
      %dma_wait3A_142 = arith.constant 0 : i32
      %dma_wait3A_143 = tpu.memref_slice %arg5[%add3A_5, %dma_wait3A_142] : memref<32x16xi32, #tpu.memory_space<hbm>> -> memref<1x16xi32, #tpu.memory_space<hbm>>
      %dma_wait3A_144 = tpu.memref_squeeze %dma_wait3A_143 : memref<1x16xi32, #tpu.memory_space<hbm>> -> memref<16xi32, #tpu.memory_space<hbm>>
      %dma_wait3A_145 = arith.constant 0 : i32
      %dma_wait3A_146 = tpu.memref_slice %arg11[%run_scoped3A_6, %dma_wait3A_145] : memref<2x16xi32, #tpu.memory_space<vmem>> -> memref<1x16xi32, #tpu.memory_space<vmem>>
      %dma_wait3A_147 = tpu.memref_squeeze %dma_wait3A_146 : memref<1x16xi32, #tpu.memory_space<vmem>> -> memref<16xi32, #tpu.memory_space<vmem>>
      %dma_wait3A_148 = arith.constant 0 : i32
      %dma_wait3A_149 = tpu.memref_slice %arg5[%add3A_5, %dma_wait3A_148] : memref<32x16xi32, #tpu.memory_space<hbm>> -> memref<1x16xi32, #tpu.memory_space<hbm>>
      %dma_wait3A_150 = tpu.memref_squeeze %dma_wait3A_149 : memref<1x16xi32, #tpu.memory_space<hbm>> -> memref<16xi32, #tpu.memory_space<hbm>>
      tpu.wait_dma2 semaphore(%run_scoped3A_126 : memref<!tpu.dma_semaphore, #tpu.memory_space<semaphore_mem>>) src(%dma_wait3A_150 : memref<16xi32, #tpu.memory_space<hbm>>) dst(%dma_wait3A_147 : memref<16xi32, #tpu.memory_space<vmem>>)
      tpu.yield
    }) : () -> ()
    %iota3A = tpu.iota {dimensions = array<i32: 0>} : vector<16xi32>
    %eq3A = vector.broadcast %arg0 : i32 to vector<16xi32>
    %eq3A_7 = arith.cmpi eq, %iota3A, %eq3A : vector<16xi32>
    %get3A = arith.constant 0 : i32
    %get3A_8 = arith.index_cast %get3A : i32 to index
    %get3A_9 = arith.constant 0 : index
    %get3A_10 = tpu.vector_load %arg11[%get3A_8, %get3A_9] {strides = array<i32>} : memref<2x16xi32, #tpu.memory_space<vmem>>, vector<16xi32>,
    %jit3A = arith.constant 0 : i32
    %broadcast_in_dim3A = vector.broadcast %jit3A : i32 to vector<16xi32>
    %select_n3A = arith.select %eq3A_7, %get3A_10, %broadcast_in_dim3A : vector<16xi1>, vector<16xi32>
    %reduce_sum3A = arith.constant true
    %reduce_sum3A_11 = vector.broadcast %reduce_sum3A : i1 to vector<16xi1>
    %reduce_sum3A_12 = tpu.scan <sum>, %select_n3A masked %reduce_sum3A_11 : vector<16xi32>, vector<16xi1> -> vector<16xi32>
    %reduce_sum3A_13 = vector.extract %reduce_sum3A_12[15] : i32 from vector<16xi32>
    %eq3A_14 = vector.broadcast %arg0 : i32 to vector<16xi32>
    %eq3A_15 = arith.cmpi eq, %iota3A, %eq3A_14 : vector<16xi32>
    %get3A_16 = arith.constant 1 : i32
    %get3A_17 = arith.index_cast %get3A_16 : i32 to index
    %get3A_18 = arith.constant 0 : index
    %get3A_19 = tpu.vector_load %arg11[%get3A_17, %get3A_18] {strides = array<i32>} : memref<2x16xi32, #tpu.memory_space<vmem>>, vector<16xi32>,
    %jit3A_20 = arith.constant 0 : i32
    %broadcast_in_dim3A_21 = vector.broadcast %jit3A_20 : i32 to vector<16xi32>
    %select_n3A_22 = arith.select %eq3A_15, %get3A_19, %broadcast_in_dim3A_21 : vector<16xi1>, vector<16xi32>
    %reduce_sum3A_23 = arith.constant true
    %reduce_sum3A_24 = vector.broadcast %reduce_sum3A_23 : i1 to vector<16xi1>
    %reduce_sum3A_25 = tpu.scan <sum>, %select_n3A_22 masked %reduce_sum3A_24 : vector<16xi32>, vector<16xi1> -> vector<16xi32>
    %reduce_sum3A_26 = vector.extract %reduce_sum3A_25[15] : i32 from vector<16xi32>
    %add3A_27 = arith.addi %reduce_sum3A_13, %reduce_sum3A_26 : i32
    %mul3A_28 = arith.constant 2 : i32
    %mul3A_29 = arith.muli %mul3A_28, %arg1 : i32
    "tpu.region"() ({
      %run_scoped3A_126 = tpu.sem_alloc : memref<!tpu.dma_semaphore, #tpu.memory_space<semaphore_mem>>
      %dma_start3A_127 = arith.constant 0 : i32
      %dma_start3A_128 = arith.constant 0 : i32
      %dma_start3A_129 = tpu.memref_slice %arg8[%dma_start3A_127, %dma_start3A_128] : memref<160x128xi32, #tpu.memory_space<vmem>> -> memref<80x128xi32, #tpu.memory_space<vmem>>
      %dma_start3A_130 = arith.constant 0 : i32
      %dma_start3A_131 = arith.constant 0 : i32
      %dma_start3A_132 = tpu.memref_slice %arg3[%arg0, %mul3A_29, %dma_start3A_130, %dma_start3A_131] : memref<2x32x80x128xi32, #tpu.memory_space<hbm>> -> memref<1x1x80x128xi32, #tpu.memory_space<hbm>>
      %dma_start3A_133 = tpu.memref_squeeze %dma_start3A_132 : memref<1x1x80x128xi32, #tpu.memory_space<hbm>> -> memref<80x128xi32, #tpu.memory_space<hbm>>
      %dma_start3A_134 = arith.constant 0 : i32
      %dma_start3A_135 = arith.constant 0 : i32
      %dma_start3A_136 = tpu.memref_slice %arg8[%dma_start3A_134, %dma_start3A_135] : memref<160x128xi32, #tpu.memory_space<vmem>> -> memref<80x128xi32, #tpu.memory_space<vmem>>
      %dma_start3A_137 = arith.constant 0 : i32
      %dma_start3A_138 = arith.constant 0 : i32
      %dma_start3A_139 = tpu.memref_slice %arg3[%arg0, %mul3A_29, %dma_start3A_137, %dma_start3A_138] : memref<2x32x80x128xi32, #tpu.memory_space<hbm>> -> memref<1x1x80x128xi32, #tpu.memory_space<hbm>>
      %dma_start3A_140 = tpu.memref_squeeze %dma_start3A_139 : memref<1x1x80x128xi32, #tpu.memory_space<hbm>> -> memref<80x128xi32, #tpu.memory_space<hbm>>
      tpu.enqueue_dma source(%dma_start3A_140 : memref<80x128xi32, #tpu.memory_space<hbm>>) target(%dma_start3A_136 : memref<80x128xi32, #tpu.memory_space<vmem>>) target_semaphore(%run_scoped3A_126 : memref<!tpu.dma_semaphore, #tpu.memory_space<semaphore_mem>>)
      %dma_wait3A_141 = arith.constant 0 : i32
      %dma_wait3A_142 = arith.constant 0 : i32
      %dma_wait3A_143 = tpu.memref_slice %arg8[%dma_wait3A_141, %dma_wait3A_142] : memref<160x128xi32, #tpu.memory_space<vmem>> -> memref<80x128xi32, #tpu.memory_space<vmem>>
      %dma_wait3A_144 = arith.constant 0 : i32
      %dma_wait3A_145 = arith.constant 0 : i32
      %dma_wait3A_146 = tpu.memref_slice %arg3[%arg0, %mul3A_29, %dma_wait3A_144, %dma_wait3A_145] : memref<2x32x80x128xi32, #tpu.memory_space<hbm>> -> memref<1x1x80x128xi32, #tpu.memory_space<hbm>>
      %dma_wait3A_147 = tpu.memref_squeeze %dma_wait3A_146 : memref<1x1x80x128xi32, #tpu.memory_space<hbm>> -> memref<80x128xi32, #tpu.memory_space<hbm>>
      %dma_wait3A_148 = arith.constant 0 : i32
      %dma_wait3A_149 = arith.constant 0 : i32
      %dma_wait3A_150 = tpu.memref_slice %arg8[%dma_wait3A_148, %dma_wait3A_149] : memref<160x128xi32, #tpu.memory_space<vmem>> -> memref<80x128xi32, #tpu.memory_space<vmem>>
      %dma_wait3A_151 = arith.constant 0 : i32
      %dma_wait3A_152 = arith.constant 0 : i32
      %dma_wait3A_153 = tpu.memref_slice %arg3[%arg0, %mul3A_29, %dma_wait3A_151, %dma_wait3A_152] : memref<2x32x80x128xi32, #tpu.memory_space<hbm>> -> memref<1x1x80x128xi32, #tpu.memory_space<hbm>>
      %dma_wait3A_154 = tpu.memref_squeeze %dma_wait3A_153 : memref<1x1x80x128xi32, #tpu.memory_space<hbm>> -> memref<80x128xi32, #tpu.memory_space<hbm>>
      tpu.wait_dma2 semaphore(%run_scoped3A_126 : memref<!tpu.dma_semaphore, #tpu.memory_space<semaphore_mem>>) src(%dma_wait3A_154 : memref<80x128xi32, #tpu.memory_space<hbm>>) dst(%dma_wait3A_150 : memref<80x128xi32, #tpu.memory_space<vmem>>)
      tpu.yield
    }) : () -> ()
    %mul3A_30 = arith.constant 2 : i32
    %mul3A_31 = arith.muli %mul3A_30, %arg1 : i32
    "tpu.region"() ({
      %run_scoped3A_126 = tpu.sem_alloc : memref<!tpu.dma_semaphore, #tpu.memory_space<semaphore_mem>>
      %dma_start3A_127 = arith.constant 0 : i32
      %dma_start3A_128 = arith.constant 0 : i32
      %dma_start3A_129 = tpu.memref_slice %arg9[%dma_start3A_127, %dma_start3A_128] : memref<160x128xi32, #tpu.memory_space<vmem>> -> memref<80x128xi32, #tpu.memory_space<vmem>>
      %dma_start3A_130 = arith.constant 0 : i32
      %dma_start3A_131 = arith.constant 0 : i32
      %dma_start3A_132 = tpu.memref_slice %arg4[%arg0, %mul3A_31, %dma_start3A_130, %dma_start3A_131] : memref<2x32x80x128xi32, #tpu.memory_space<hbm>> -> memref<1x1x80x128xi32, #tpu.memory_space<hbm>>
      %dma_start3A_133 = tpu.memref_squeeze %dma_start3A_132 : memref<1x1x80x128xi32, #tpu.memory_space<hbm>> -> memref<80x128xi32, #tpu.memory_space<hbm>>
      %dma_start3A_134 = arith.constant 0 : i32
      %dma_start3A_135 = arith.constant 0 : i32
      %dma_start3A_136 = tpu.memref_slice %arg9[%dma_start3A_134, %dma_start3A_135] : memref<160x128xi32, #tpu.memory_space<vmem>> -> memref<80x128xi32, #tpu.memory_space<vmem>>
      %dma_start3A_137 = arith.constant 0 : i32
      %dma_start3A_138 = arith.constant 0 : i32
      %dma_start3A_139 = tpu.memref_slice %arg4[%arg0, %mul3A_31, %dma_start3A_137, %dma_start3A_138] : memref<2x32x80x128xi32, #tpu.memory_space<hbm>> -> memref<1x1x80x128xi32, #tpu.memory_space<hbm>>
      %dma_start3A_140 = tpu.memref_squeeze %dma_start3A_139 : memref<1x1x80x128xi32, #tpu.memory_space<hbm>> -> memref<80x128xi32, #tpu.memory_space<hbm>>
      tpu.enqueue_dma source(%dma_start3A_140 : memref<80x128xi32, #tpu.memory_space<hbm>>) target(%dma_start3A_136 : memref<80x128xi32, #tpu.memory_space<vmem>>) target_semaphore(%run_scoped3A_126 : memref<!tpu.dma_semaphore, #tpu.memory_space<semaphore_mem>>)
      %dma_wait3A_141 = arith.constant 0 : i32
      %dma_wait3A_142 = arith.constant 0 : i32
      %dma_wait3A_143 = tpu.memref_slice %arg9[%dma_wait3A_141, %dma_wait3A_142] : memref<160x128xi32, #tpu.memory_space<vmem>> -> memref<80x128xi32, #tpu.memory_space<vmem>>
      %dma_wait3A_144 = arith.constant 0 : i32
      %dma_wait3A_145 = arith.constant 0 : i32
      %dma_wait3A_146 = tpu.memref_slice %arg4[%arg0, %mul3A_31, %dma_wait3A_144, %dma_wait3A_145] : memref<2x32x80x128xi32, #tpu.memory_space<hbm>> -> memref<1x1x80x128xi32, #tpu.memory_space<hbm>>
      %dma_wait3A_147 = tpu.memref_squeeze %dma_wait3A_146 : memref<1x1x80x128xi32, #tpu.memory_space<hbm>> -> memref<80x128xi32, #tpu.memory_space<hbm>>
      %dma_wait3A_148 = arith.constant 0 : i32
      %dma_wait3A_149 = arith.constant 0 : i32
      %dma_wait3A_150 = tpu.memref_slice %arg9[%dma_wait3A_148, %dma_wait3A_149] : memref<160x128xi32, #tpu.memory_space<vmem>> -> memref<80x128xi32, #tpu.memory_space<vmem>>
      %dma_wait3A_151 = arith.constant 0 : i32
      %dma_wait3A_152 = arith.constant 0 : i32
      %dma_wait3A_153 = tpu.memref_slice %arg4[%arg0, %mul3A_31, %dma_wait3A_151, %dma_wait3A_152] : memref<2x32x80x128xi32, #tpu.memory_space<hbm>> -> memref<1x1x80x128xi32, #tpu.memory_space<hbm>>
      %dma_wait3A_154 = tpu.memref_squeeze %dma_wait3A_153 : memref<1x1x80x128xi32, #tpu.memory_space<hbm>> -> memref<80x128xi32, #tpu.memory_space<hbm>>
      tpu.wait_dma2 semaphore(%run_scoped3A_126 : memref<!tpu.dma_semaphore, #tpu.memory_space<semaphore_mem>>) src(%dma_wait3A_154 : memref<80x128xi32, #tpu.memory_space<hbm>>) dst(%dma_wait3A_150 : memref<80x128xi32, #tpu.memory_space<vmem>>)
      tpu.yield
    }) : () -> ()
    %mul3A_32 = arith.constant 2 : i32
    %mul3A_33 = arith.muli %mul3A_32, %arg1 : i32
    %add3A_34 = arith.constant 1 : i32
    %add3A_35 = arith.addi %mul3A_33, %add3A_34 : i32
    "tpu.region"() ({
      %run_scoped3A_126 = tpu.sem_alloc : memref<!tpu.dma_semaphore, #tpu.memory_space<semaphore_mem>>
      %dma_start3A_127 = arith.constant 0 : i32
      %dma_start3A_128 = tpu.memref_slice %arg8[%reduce_sum3A_13, %dma_start3A_127] : memref<160x128xi32, #tpu.memory_space<vmem>> -> memref<80x128xi32, #tpu.memory_space<vmem>>
      %dma_start3A_129 = arith.constant 0 : i32
      %dma_start3A_130 = arith.constant 0 : i32
      %dma_start3A_131 = tpu.memref_slice %arg3[%arg0, %add3A_35, %dma_start3A_129, %dma_start3A_130] : memref<2x32x80x128xi32, #tpu.memory_space<hbm>> -> memref<1x1x80x128xi32, #tpu.memory_space<hbm>>
      %dma_start3A_132 = tpu.memref_squeeze %dma_start3A_131 : memref<1x1x80x128xi32, #tpu.memory_space<hbm>> -> memref<80x128xi32, #tpu.memory_space<hbm>>
      %dma_start3A_133 = arith.constant 0 : i32
      %dma_start3A_134 = tpu.memref_slice %arg8[%reduce_sum3A_13, %dma_start3A_133] : memref<160x128xi32, #tpu.memory_space<vmem>> -> memref<80x128xi32, #tpu.memory_space<vmem>>
      %dma_start3A_135 = arith.constant 0 : i32
      %dma_start3A_136 = arith.constant 0 : i32
      %dma_start3A_137 = tpu.memref_slice %arg3[%arg0, %add3A_35, %dma_start3A_135, %dma_start3A_136] : memref<2x32x80x128xi32, #tpu.memory_space<hbm>> -> memref<1x1x80x128xi32, #tpu.memory_space<hbm>>
      %dma_start3A_138 = tpu.memref_squeeze %dma_start3A_137 : memref<1x1x80x128xi32, #tpu.memory_space<hbm>> -> memref<80x128xi32, #tpu.memory_space<hbm>>
      tpu.enqueue_dma source(%dma_start3A_138 : memref<80x128xi32, #tpu.memory_space<hbm>>) target(%dma_start3A_134 : memref<80x128xi32, #tpu.memory_space<vmem>>) target_semaphore(%run_scoped3A_126 : memref<!tpu.dma_semaphore, #tpu.memory_space<semaphore_mem>>)
      %dma_wait3A_139 = arith.constant 0 : i32
      %dma_wait3A_140 = tpu.memref_slice %arg8[%reduce_sum3A_13, %dma_wait3A_139] : memref<160x128xi32, #tpu.memory_space<vmem>> -> memref<80x128xi32, #tpu.memory_space<vmem>>
      %dma_wait3A_141 = arith.constant 0 : i32
      %dma_wait3A_142 = arith.constant 0 : i32
      %dma_wait3A_143 = tpu.memref_slice %arg3[%arg0, %add3A_35, %dma_wait3A_141, %dma_wait3A_142] : memref<2x32x80x128xi32, #tpu.memory_space<hbm>> -> memref<1x1x80x128xi32, #tpu.memory_space<hbm>>
      %dma_wait3A_144 = tpu.memref_squeeze %dma_wait3A_143 : memref<1x1x80x128xi32, #tpu.memory_space<hbm>> -> memref<80x128xi32, #tpu.memory_space<hbm>>
      %dma_wait3A_145 = arith.constant 0 : i32
      %dma_wait3A_146 = tpu.memref_slice %arg8[%reduce_sum3A_13, %dma_wait3A_145] : memref<160x128xi32, #tpu.memory_space<vmem>> -> memref<80x128xi32, #tpu.memory_space<vmem>>
      %dma_wait3A_147 = arith.constant 0 : i32
      %dma_wait3A_148 = arith.constant 0 : i32
      %dma_wait3A_149 = tpu.memref_slice %arg3[%arg0, %add3A_35, %dma_wait3A_147, %dma_wait3A_148] : memref<2x32x80x128xi32, #tpu.memory_space<hbm>> -> memref<1x1x80x128xi32, #tpu.memory_space<hbm>>
      %dma_wait3A_150 = tpu.memref_squeeze %dma_wait3A_149 : memref<1x1x80x128xi32, #tpu.memory_space<hbm>> -> memref<80x128xi32, #tpu.memory_space<hbm>>
      tpu.wait_dma2 semaphore(%run_scoped3A_126 : memref<!tpu.dma_semaphore, #tpu.memory_space<semaphore_mem>>) src(%dma_wait3A_150 : memref<80x128xi32, #tpu.memory_space<hbm>>) dst(%dma_wait3A_146 : memref<80x128xi32, #tpu.memory_space<vmem>>)
      tpu.yield
    }) : () -> ()
    %mul3A_36 = arith.constant 2 : i32
    %mul3A_37 = arith.muli %mul3A_36, %arg1 : i32
    %add3A_38 = arith.constant 1 : i32
    %add3A_39 = arith.addi %mul3A_37, %add3A_38 : i32
    "tpu.region"() ({
      %run_scoped3A_126 = tpu.sem_alloc : memref<!tpu.dma_semaphore, #tpu.memory_space<semaphore_mem>>
      %dma_start3A_127 = arith.constant 0 : i32
      %dma_start3A_128 = tpu.memref_slice %arg9[%reduce_sum3A_13, %dma_start3A_127] : memref<160x128xi32, #tpu.memory_space<vmem>> -> memref<80x128xi32, #tpu.memory_space<vmem>>
      %dma_start3A_129 = arith.constant 0 : i32
      %dma_start3A_130 = arith.constant 0 : i32
      %dma_start3A_131 = tpu.memref_slice %arg4[%arg0, %add3A_39, %dma_start3A_129, %dma_start3A_130] : memref<2x32x80x128xi32, #tpu.memory_space<hbm>> -> memref<1x1x80x128xi32, #tpu.memory_space<hbm>>
      %dma_start3A_132 = tpu.memref_squeeze %dma_start3A_131 : memref<1x1x80x128xi32, #tpu.memory_space<hbm>> -> memref<80x128xi32, #tpu.memory_space<hbm>>
      %dma_start3A_133 = arith.constant 0 : i32
      %dma_start3A_134 = tpu.memref_slice %arg9[%reduce_sum3A_13, %dma_start3A_133] : memref<160x128xi32, #tpu.memory_space<vmem>> -> memref<80x128xi32, #tpu.memory_space<vmem>>
      %dma_start3A_135 = arith.constant 0 : i32
      %dma_start3A_136 = arith.constant 0 : i32
      %dma_start3A_137 = tpu.memref_slice %arg4[%arg0, %add3A_39, %dma_start3A_135, %dma_start3A_136] : memref<2x32x80x128xi32, #tpu.memory_space<hbm>> -> memref<1x1x80x128xi32, #tpu.memory_space<hbm>>
      %dma_start3A_138 = tpu.memref_squeeze %dma_start3A_137 : memref<1x1x80x128xi32, #tpu.memory_space<hbm>> -> memref<80x128xi32, #tpu.memory_space<hbm>>
      tpu.enqueue_dma source(%dma_start3A_138 : memref<80x128xi32, #tpu.memory_space<hbm>>) target(%dma_start3A_134 : memref<80x128xi32, #tpu.memory_space<vmem>>) target_semaphore(%run_scoped3A_126 : memref<!tpu.dma_semaphore, #tpu.memory_space<semaphore_mem>>)
      %dma_wait3A_139 = arith.constant 0 : i32
      %dma_wait3A_140 = tpu.memref_slice %arg9[%reduce_sum3A_13, %dma_wait3A_139] : memref<160x128xi32, #tpu.memory_space<vmem>> -> memref<80x128xi32, #tpu.memory_space<vmem>>
      %dma_wait3A_141 = arith.constant 0 : i32
      %dma_wait3A_142 = arith.constant 0 : i32
      %dma_wait3A_143 = tpu.memref_slice %arg4[%arg0, %add3A_39, %dma_wait3A_141, %dma_wait3A_142] : memref<2x32x80x128xi32, #tpu.memory_space<hbm>> -> memref<1x1x80x128xi32, #tpu.memory_space<hbm>>
      %dma_wait3A_144 = tpu.memref_squeeze %dma_wait3A_143 : memref<1x1x80x128xi32, #tpu.memory_space<hbm>> -> memref<80x128xi32, #tpu.memory_space<hbm>>
      %dma_wait3A_145 = arith.constant 0 : i32
      %dma_wait3A_146 = tpu.memref_slice %arg9[%reduce_sum3A_13, %dma_wait3A_145] : memref<160x128xi32, #tpu.memory_space<vmem>> -> memref<80x128xi32, #tpu.memory_space<vmem>>
      %dma_wait3A_147 = arith.constant 0 : i32
      %dma_wait3A_148 = arith.constant 0 : i32
      %dma_wait3A_149 = tpu.memref_slice %arg4[%arg0, %add3A_39, %dma_wait3A_147, %dma_wait3A_148] : memref<2x32x80x128xi32, #tpu.memory_space<hbm>> -> memref<1x1x80x128xi32, #tpu.memory_space<hbm>>
      %dma_wait3A_150 = tpu.memref_squeeze %dma_wait3A_149 : memref<1x1x80x128xi32, #tpu.memory_space<hbm>> -> memref<80x128xi32, #tpu.memory_space<hbm>>
      tpu.wait_dma2 semaphore(%run_scoped3A_126 : memref<!tpu.dma_semaphore, #tpu.memory_space<semaphore_mem>>) src(%dma_wait3A_150 : memref<80x128xi32, #tpu.memory_space<hbm>>) dst(%dma_wait3A_146 : memref<80x128xi32, #tpu.memory_space<vmem>>)
      tpu.yield
    }) : () -> ()
    %mul3A_40 = arith.constant 320 : i32
    %mul3A_41 = arith.muli %arg1, %mul3A_40 : i32
    "tpu.region"() ({
      %run_scoped3A_126 = tpu.sem_alloc : memref<!tpu.dma_semaphore, #tpu.memory_space<semaphore_mem>>
      %dma_start3A_127 = arith.constant 0 : i32
      %dma_start3A_128 = tpu.memref_slice %arg12[%mul3A_41, %dma_start3A_127] : memref<5128x128xf32, #tpu.memory_space<vmem_shared>> -> memref<320x128xf32, #tpu.memory_space<vmem_shared>>
      tpu.enqueue_dma source(%arg6 : memref<320x128xf32, #tpu.memory_space<hbm>>) target(%dma_start3A_128 : memref<320x128xf32, #tpu.memory_space<vmem_shared>>) target_semaphore(%run_scoped3A_126 : memref<!tpu.dma_semaphore, #tpu.memory_space<semaphore_mem>>)
      %dma_wait3A_129 = arith.constant 0 : i32
      %dma_wait3A_130 = tpu.memref_slice %arg12[%mul3A_41, %dma_wait3A_129] : memref<5128x128xf32, #tpu.memory_space<vmem_shared>> -> memref<320x128xf32, #tpu.memory_space<vmem_shared>>
      tpu.wait_dma2 semaphore(%run_scoped3A_126 : memref<!tpu.dma_semaphore, #tpu.memory_space<semaphore_mem>>) src(%arg6 : memref<320x128xf32, #tpu.memory_space<hbm>>) dst(%dma_wait3A_130 : memref<320x128xf32, #tpu.memory_space<vmem_shared>>)
      tpu.yield
    }) : () -> ()
    %eq3A_42 = arith.constant 15 : i32
    %eq3A_43 = arith.cmpi eq, %arg1, %eq3A_42 : i32
    %convert_element_type3A = arith.extui %eq3A_43 : i1 to i32
    %cond3A = arith.constant 0 : i32
    %cond3A_44 = arith.cmpi ne, %convert_element_type3A, %cond3A : i32
    scf.if %cond3A_44 {
      "tpu.region"() ({
        %run_scoped3A_126 = tpu.sem_alloc : memref<!tpu.dma_semaphore, #tpu.memory_space<semaphore_mem>>
        %dma_start3A_127 = arith.constant 5120 : i32
        %dma_start3A_128 = arith.constant 0 : i32
        %dma_start3A_129 = tpu.memref_slice %arg12[%dma_start3A_127, %dma_start3A_128] : memref<5128x128xf32, #tpu.memory_space<vmem_shared>> -> memref<8x128xf32, #tpu.memory_space<vmem_shared>>
        %dma_start3A_130 = arith.constant 0 : i32
        %dma_start3A_131 = arith.constant 0 : i32
        %dma_start3A_132 = tpu.memref_slice %arg6[%dma_start3A_130, %dma_start3A_131] : memref<320x128xf32, #tpu.memory_space<hbm>> -> memref<8x128xf32, #tpu.memory_space<hbm>>
        tpu.enqueue_dma source(%dma_start3A_132 : memref<8x128xf32, #tpu.memory_space<hbm>>) target(%dma_start3A_129 : memref<8x128xf32, #tpu.memory_space<vmem_shared>>) target_semaphore(%run_scoped3A_126 : memref<!tpu.dma_semaphore, #tpu.memory_space<semaphore_mem>>)
        %dma_wait3A_133 = arith.constant 5120 : i32
        %dma_wait3A_134 = arith.constant 0 : i32
        %dma_wait3A_135 = tpu.memref_slice %arg12[%dma_wait3A_133, %dma_wait3A_134] : memref<5128x128xf32, #tpu.memory_space<vmem_shared>> -> memref<8x128xf32, #tpu.memory_space<vmem_shared>>
        %dma_wait3A_136 = arith.constant 0 : i32
        %dma_wait3A_137 = arith.constant 0 : i32
        %dma_wait3A_138 = tpu.memref_slice %arg6[%dma_wait3A_136, %dma_wait3A_137] : memref<320x128xf32, #tpu.memory_space<hbm>> -> memref<8x128xf32, #tpu.memory_space<hbm>>
        tpu.wait_dma2 semaphore(%run_scoped3A_126 : memref<!tpu.dma_semaphore, #tpu.memory_space<semaphore_mem>>) src(%dma_wait3A_138 : memref<8x128xf32, #tpu.memory_space<hbm>>) dst(%dma_wait3A_135 : memref<8x128xf32, #tpu.memory_space<vmem_shared>>)
        tpu.yield
      }) : () -> ()
    } else {
    }
    %barrier3A = arith.constant 0 : index
    tpu.barrier barrier_id(%barrier3A)
    %sub3A = arith.constant 1 : i32
    %sub3A_45 = arith.subi %add3A_27, %sub3A : i32
    %dma_start3A = arith.constant 0 : i32
    %dma_start3A_46 = arith.constant 0 : i32
    %dma_start3A_47 = arith.constant 0 : i32
    %dma_start3A_48 = arith.constant 0 : i32
    %dma_start3A_49 = tpu.memref_slice %arg10[%dma_start3A_46, %dma_start3A_47, %dma_start3A_48] : memref<2x128x128xf32, #tpu.memory_space<vmem>> -> memref<1x128x128xf32, #tpu.memory_space<vmem>>
    %dma_start3A_50 = tpu.memref_squeeze %dma_start3A_49 : memref<1x128x128xf32, #tpu.memory_space<vmem>> -> memref<128x128xf32, #tpu.memory_space<vmem>>
    %dma_start3A_51 = arith.constant 0 : i32
    %dma_start3A_52 = tpu.memref_slice %arg8[%dma_start3A, %dma_start3A_51] : memref<160x128xi32, #tpu.memory_space<vmem>> -> memref<1x128xi32, #tpu.memory_space<vmem>>
    %dma_start3A_53 = tpu.memref_squeeze %dma_start3A_52 : memref<1x128xi32, #tpu.memory_space<vmem>> -> memref<128xi32, #tpu.memory_space<vmem>>
    %dma_start3A_54 = arith.constant 0 : i32
    %dma_start3A_55 = arith.constant 0 : i32
    %dma_start3A_56 = tpu.memref_slice %arg2[%dma_start3A_54, %dma_start3A_55] : memref<10240x128xf32, #tpu.memory_space<hbm>> -> memref<10240x128xf32, #tpu.memory_space<hbm>>
    tpu.enqueue_indirect_dma source(%dma_start3A_56 : memref<10240x128xf32, #tpu.memory_space<hbm>>) target(%dma_start3A_50 : memref<128x128xf32, #tpu.memory_space<vmem>>) offsets(%dma_start3A_53 : memref<128xi32, #tpu.memory_space<vmem>>) semaphore(%arg13 : memref<!tpu.dma_semaphore, #tpu.memory_space<semaphore_mem>>)
    %dma_start3A_57 = arith.constant 1 : i32
    %dma_start3A_58 = arith.constant 1 : i32
    %dma_start3A_59 = arith.constant 0 : i32
    %dma_start3A_60 = arith.constant 0 : i32
    %dma_start3A_61 = tpu.memref_slice %arg10[%dma_start3A_58, %dma_start3A_59, %dma_start3A_60] : memref<2x128x128xf32, #tpu.memory_space<vmem>> -> memref<1x128x128xf32, #tpu.memory_space<vmem>>
    %dma_start3A_62 = tpu.memref_squeeze %dma_start3A_61 : memref<1x128x128xf32, #tpu.memory_space<vmem>> -> memref<128x128xf32, #tpu.memory_space<vmem>>
    %dma_start3A_63 = arith.constant 0 : i32
    %dma_start3A_64 = tpu.memref_slice %arg8[%dma_start3A_57, %dma_start3A_63] : memref<160x128xi32, #tpu.memory_space<vmem>> -> memref<1x128xi32, #tpu.memory_space<vmem>>
    %dma_start3A_65 = tpu.memref_squeeze %dma_start3A_64 : memref<1x128xi32, #tpu.memory_space<vmem>> -> memref<128xi32, #tpu.memory_space<vmem>>
    %dma_start3A_66 = arith.constant 0 : i32
    %dma_start3A_67 = arith.constant 0 : i32
    %dma_start3A_68 = tpu.memref_slice %arg2[%dma_start3A_66, %dma_start3A_67] : memref<10240x128xf32, #tpu.memory_space<hbm>> -> memref<10240x128xf32, #tpu.memory_space<hbm>>
    tpu.enqueue_indirect_dma source(%dma_start3A_68 : memref<10240x128xf32, #tpu.memory_space<hbm>>) target(%dma_start3A_62 : memref<128x128xf32, #tpu.memory_space<vmem>>) offsets(%dma_start3A_65 : memref<128xi32, #tpu.memory_space<vmem>>) semaphore(%arg14 : memref<!tpu.dma_semaphore, #tpu.memory_space<semaphore_mem>>)
    %jit3A_69 = arith.constant 2 : i32
    %div3A = arith.divsi %add3A_27, %jit3A_69 : i32
    %sign3A = arith.constant 0 : i32
    %sign3A_70 = arith.cmpi sgt, %add3A_27, %sign3A : i32
    %sign3A_71 = arith.extui %sign3A_70 : i1 to i32
    %sign3A_72 = arith.constant 0 : i32
    %sign3A_73 = arith.cmpi slt, %add3A_27, %sign3A_72 : i32
    %sign3A_74 = arith.extui %sign3A_73 : i1 to i32
    %sign3A_75 = arith.subi %sign3A_71, %sign3A_74 : i32
    %sign3A_76 = arith.constant 0 : i32
    %sign3A_77 = arith.cmpi sgt, %jit3A_69, %sign3A_76 : i32
    %sign3A_78 = arith.extui %sign3A_77 : i1 to i32
    %sign3A_79 = arith.constant 0 : i32
    %sign3A_80 = arith.cmpi slt, %jit3A_69, %sign3A_79 : i32
    %sign3A_81 = arith.extui %sign3A_80 : i1 to i32
    %sign3A_82 = arith.subi %sign3A_78, %sign3A_81 : i32
    %ne3A = arith.cmpi ne, %sign3A_75, %sign3A_82 : i32
    %rem3A = arith.remsi %add3A_27, %jit3A_69 : i32
    %ne3A_83 = arith.constant 0 : i32
    %ne3A_84 = arith.cmpi ne, %rem3A, %ne3A_83 : i32
    %and3A = arith.andi %ne3A, %ne3A_84 : i1
    %sub3A_85 = arith.constant 1 : i32
    %sub3A_86 = arith.subi %div3A, %sub3A_85 : i32
    %select_n3A_87 = arith.select %and3A, %sub3A_86, %div3A : i32
    %while3A = arith.constant 0 : i32
    %while3A_88 = arith.constant 0 : i32
    %while3A_89 = arith.subi %select_n3A_87, %while3A : i32
    %while3A_90 = arith.addi %while3A, %while3A_89 : i32
    %while3A_91 = arith.constant 1 : i32
    %while3A_92 = arith.divsi %while3A_89, %while3A_91 : i32
    %while3A_93 = arith.muli %while3A_92, %while3A_91 : i32
    %while3A_94 = arith.addi %while3A, %while3A_93 : i32
    %while3A_95 = arith.constant 1 : i32
    %while3A_96 = scf.for %while3A_126 = %while3A to %while3A_94 step %while3A_95 iter_args(%while3A_127 = %while3A_88) -> (i32)  : i32 {
      %mul3A_128 = arith.constant 2 : i32
      %mul3A_129 = arith.muli %mul3A_128, %while3A_126 : i32
      %dma_wait3A_130 = arith.constant 0 : i32
      %dma_wait3A_131 = arith.constant 0 : i32
      %dma_wait3A_132 = arith.constant 0 : i32
      %dma_wait3A_133 = tpu.memref_slice %arg10[%dma_wait3A_130, %dma_wait3A_131, %dma_wait3A_132] : memref<2x128x128xf32, #tpu.memory_space<vmem>> -> memref<1x128x128xf32, #tpu.memory_space<vmem>>
      %dma_wait3A_134 = tpu.memref_squeeze %dma_wait3A_133 : memref<1x128x128xf32, #tpu.memory_space<vmem>> -> memref<128x128xf32, #tpu.memory_space<vmem>>
      %dma_wait3A_135 = arith.constant 0 : i32
      %dma_wait3A_136 = tpu.memref_slice %arg8[%mul3A_129, %dma_wait3A_135] : memref<160x128xi32, #tpu.memory_space<vmem>> -> memref<1x128xi32, #tpu.memory_space<vmem>>
      %dma_wait3A_137 = tpu.memref_squeeze %dma_wait3A_136 : memref<1x128xi32, #tpu.memory_space<vmem>> -> memref<128xi32, #tpu.memory_space<vmem>>
      %dma_wait3A_138 = arith.constant 0 : i32
      %dma_wait3A_139 = arith.constant 0 : i32
      %dma_wait3A_140 = tpu.memref_slice %arg2[%dma_wait3A_138, %dma_wait3A_139] : memref<10240x128xf32, #tpu.memory_space<hbm>> -> memref<10240x128xf32, #tpu.memory_space<hbm>>
      tpu.wait_indirect_dma semaphore(%arg13 : memref<!tpu.dma_semaphore, #tpu.memory_space<semaphore_mem>>) src(%dma_wait3A_140 : memref<10240x128xf32, #tpu.memory_space<hbm>>) dst(%dma_wait3A_134 : memref<128x128xf32, #tpu.memory_space<vmem>>)
      %dma_start3A_141 = arith.constant 0 : i32
      %dma_start3A_142 = arith.constant 0 : i32
      %dma_start3A_143 = arith.constant 0 : i32
      %dma_start3A_144 = tpu.memref_slice %arg10[%dma_start3A_141, %dma_start3A_142, %dma_start3A_143] : memref<2x128x128xf32, #tpu.memory_space<vmem>> -> memref<1x128x128xf32, #tpu.memory_space<vmem>>
      %dma_start3A_145 = tpu.memref_squeeze %dma_start3A_144 : memref<1x128x128xf32, #tpu.memory_space<vmem>> -> memref<128x128xf32, #tpu.memory_space<vmem>>
      %dma_start3A_146 = arith.constant 0 : i32
      %dma_start3A_147 = tpu.memref_slice %arg9[%mul3A_129, %dma_start3A_146] : memref<160x128xi32, #tpu.memory_space<vmem>> -> memref<1x128xi32, #tpu.memory_space<vmem>>
      %dma_start3A_148 = tpu.memref_squeeze %dma_start3A_147 : memref<1x128xi32, #tpu.memory_space<vmem>> -> memref<128xi32, #tpu.memory_space<vmem>>
      %dma_start3A_149 = arith.constant 0 : i32
      %dma_start3A_150 = arith.constant 0 : i32
      %dma_start3A_151 = tpu.memref_slice %arg12[%dma_start3A_149, %dma_start3A_150] : memref<5128x128xf32, #tpu.memory_space<vmem_shared>> -> memref<5128x128xf32, #tpu.memory_space<vmem_shared>>
      tpu.enqueue_indirect_dma source(%dma_start3A_145 : memref<128x128xf32, #tpu.memory_space<vmem>>) target(%dma_start3A_151 : memref<5128x128xf32, #tpu.memory_space<vmem_shared>>) offsets(%dma_start3A_148 : memref<128xi32, #tpu.memory_space<vmem>>) semaphore(%arg15 : memref<!tpu.dma_semaphore, #tpu.memory_space<semaphore_mem>>) {add = true}
      %add3A_152 = arith.constant 1 : i32
      %add3A_153 = arith.addi %mul3A_129, %add3A_152 : i32
      %dma_wait3A_154 = arith.constant 1 : i32
      %dma_wait3A_155 = arith.constant 0 : i32
      %dma_wait3A_156 = arith.constant 0 : i32
      %dma_wait3A_157 = tpu.memref_slice %arg10[%dma_wait3A_154, %dma_wait3A_155, %dma_wait3A_156] : memref<2x128x128xf32, #tpu.memory_space<vmem>> -> memref<1x128x128xf32, #tpu.memory_space<vmem>>
      %dma_wait3A_158 = tpu.memref_squeeze %dma_wait3A_157 : memref<1x128x128xf32, #tpu.memory_space<vmem>> -> memref<128x128xf32, #tpu.memory_space<vmem>>
      %dma_wait3A_159 = arith.constant 0 : i32
      %dma_wait3A_160 = tpu.memref_slice %arg8[%add3A_153, %dma_wait3A_159] : memref<160x128xi32, #tpu.memory_space<vmem>> -> memref<1x128xi32, #tpu.memory_space<vmem>>
      %dma_wait3A_161 = tpu.memref_squeeze %dma_wait3A_160 : memref<1x128xi32, #tpu.memory_space<vmem>> -> memref<128xi32, #tpu.memory_space<vmem>>
      %dma_wait3A_162 = arith.constant 0 : i32
      %dma_wait3A_163 = arith.constant 0 : i32
      %dma_wait3A_164 = tpu.memref_slice %arg2[%dma_wait3A_162, %dma_wait3A_163] : memref<10240x128xf32, #tpu.memory_space<hbm>> -> memref<10240x128xf32, #tpu.memory_space<hbm>>
      tpu.wait_indirect_dma semaphore(%arg14 : memref<!tpu.dma_semaphore, #tpu.memory_space<semaphore_mem>>) src(%dma_wait3A_164 : memref<10240x128xf32, #tpu.memory_space<hbm>>) dst(%dma_wait3A_158 : memref<128x128xf32, #tpu.memory_space<vmem>>)
      %add3A_165 = arith.constant 1 : i32
      %add3A_166 = arith.addi %mul3A_129, %add3A_165 : i32
      %dma_start3A_167 = arith.constant 1 : i32
      %dma_start3A_168 = arith.constant 0 : i32
      %dma_start3A_169 = arith.constant 0 : i32
      %dma_start3A_170 = tpu.memref_slice %arg10[%dma_start3A_167, %dma_start3A_168, %dma_start3A_169] : memref<2x128x128xf32, #tpu.memory_space<vmem>> -> memref<1x128x128xf32, #tpu.memory_space<vmem>>
      %dma_start3A_171 = tpu.memref_squeeze %dma_start3A_170 : memref<1x128x128xf32, #tpu.memory_space<vmem>> -> memref<128x128xf32, #tpu.memory_space<vmem>>
      %dma_start3A_172 = arith.constant 0 : i32
      %dma_start3A_173 = tpu.memref_slice %arg9[%add3A_166, %dma_start3A_172] : memref<160x128xi32, #tpu.memory_space<vmem>> -> memref<1x128xi32, #tpu.memory_space<vmem>>
      %dma_start3A_174 = tpu.memref_squeeze %dma_start3A_173 : memref<1x128xi32, #tpu.memory_space<vmem>> -> memref<128xi32, #tpu.memory_space<vmem>>
      %dma_start3A_175 = arith.constant 0 : i32
      %dma_start3A_176 = arith.constant 0 : i32
      %dma_start3A_177 = tpu.memref_slice %arg12[%dma_start3A_175, %dma_start3A_176] : memref<5128x128xf32, #tpu.memory_space<vmem_shared>> -> memref<5128x128xf32, #tpu.memory_space<vmem_shared>>
      tpu.enqueue_indirect_dma source(%dma_start3A_171 : memref<128x128xf32, #tpu.memory_space<vmem>>) target(%dma_start3A_177 : memref<5128x128xf32, #tpu.memory_space<vmem_shared>>) offsets(%dma_start3A_174 : memref<128xi32, #tpu.memory_space<vmem>>) semaphore(%arg16 : memref<!tpu.dma_semaphore, #tpu.memory_space<semaphore_mem>>) {add = true}
      %add3A_178 = arith.constant 2 : i32
      %add3A_179 = arith.addi %mul3A_129, %add3A_178 : i32
      %min3A = arith.minsi %add3A_179, %sub3A_45 : i32
      %add3A_180 = arith.constant 3 : i32
      %add3A_181 = arith.addi %mul3A_129, %add3A_180 : i32
      %min3A_182 = arith.minsi %add3A_181, %sub3A_45 : i32
      %dma_wait3A_183 = arith.constant 0 : i32
      %dma_wait3A_184 = arith.constant 0 : i32
      %dma_wait3A_185 = arith.constant 0 : i32
      %dma_wait3A_186 = tpu.memref_slice %arg10[%dma_wait3A_183, %dma_wait3A_184, %dma_wait3A_185] : memref<2x128x128xf32, #tpu.memory_space<vmem>> -> memref<1x128x128xf32, #tpu.memory_space<vmem>>
      %dma_wait3A_187 = tpu.memref_squeeze %dma_wait3A_186 : memref<1x128x128xf32, #tpu.memory_space<vmem>> -> memref<128x128xf32, #tpu.memory_space<vmem>>
      %dma_wait3A_188 = arith.constant 0 : i32
      %dma_wait3A_189 = tpu.memref_slice %arg9[%mul3A_129, %dma_wait3A_188] : memref<160x128xi32, #tpu.memory_space<vmem>> -> memref<1x128xi32, #tpu.memory_space<vmem>>
      %dma_wait3A_190 = tpu.memref_squeeze %dma_wait3A_189 : memref<1x128xi32, #tpu.memory_space<vmem>> -> memref<128xi32, #tpu.memory_space<vmem>>
      %dma_wait3A_191 = arith.constant 0 : i32
      %dma_wait3A_192 = arith.constant 0 : i32
      %dma_wait3A_193 = tpu.memref_slice %arg12[%dma_wait3A_191, %dma_wait3A_192] : memref<5128x128xf32, #tpu.memory_space<vmem_shared>> -> memref<5128x128xf32, #tpu.memory_space<vmem_shared>>
      tpu.wait_indirect_dma semaphore(%arg15 : memref<!tpu.dma_semaphore, #tpu.memory_space<semaphore_mem>>) src(%dma_wait3A_187 : memref<128x128xf32, #tpu.memory_space<vmem>>) dst(%dma_wait3A_193 : memref<5128x128xf32, #tpu.memory_space<vmem_shared>>)
      %dma_start3A_194 = arith.constant 0 : i32
      %dma_start3A_195 = arith.constant 0 : i32
      %dma_start3A_196 = arith.constant 0 : i32
      %dma_start3A_197 = tpu.memref_slice %arg10[%dma_start3A_194, %dma_start3A_195, %dma_start3A_196] : memref<2x128x128xf32, #tpu.memory_space<vmem>> -> memref<1x128x128xf32, #tpu.memory_space<vmem>>
      %dma_start3A_198 = tpu.memref_squeeze %dma_start3A_197 : memref<1x128x128xf32, #tpu.memory_space<vmem>> -> memref<128x128xf32, #tpu.memory_space<vmem>>
      %dma_start3A_199 = arith.constant 0 : i32
      %dma_start3A_200 = tpu.memref_slice %arg8[%min3A, %dma_start3A_199] : memref<160x128xi32, #tpu.memory_space<vmem>> -> memref<1x128xi32, #tpu.memory_space<vmem>>
      %dma_start3A_201 = tpu.memref_squeeze %dma_start3A_200 : memref<1x128xi32, #tpu.memory_space<vmem>> -> memref<128xi32, #tpu.memory_space<vmem>>
      %dma_start3A_202 = arith.constant 0 : i32
      %dma_start3A_203 = arith.constant 0 : i32
      %dma_start3A_204 = tpu.memref_slice %arg2[%dma_start3A_202, %dma_start3A_203] : memref<10240x128xf32, #tpu.memory_space<hbm>> -> memref<10240x128xf32, #tpu.memory_space<hbm>>
      tpu.enqueue_indirect_dma source(%dma_start3A_204 : memref<10240x128xf32, #tpu.memory_space<hbm>>) target(%dma_start3A_198 : memref<128x128xf32, #tpu.memory_space<vmem>>) offsets(%dma_start3A_201 : memref<128xi32, #tpu.memory_space<vmem>>) semaphore(%arg13 : memref<!tpu.dma_semaphore, #tpu.memory_space<semaphore_mem>>)
      %add3A_205 = arith.constant 1 : i32
      %add3A_206 = arith.addi %mul3A_129, %add3A_205 : i32
      %dma_wait3A_207 = arith.constant 1 : i32
      %dma_wait3A_208 = arith.constant 0 : i32
      %dma_wait3A_209 = arith.constant 0 : i32
      %dma_wait3A_210 = tpu.memref_slice %arg10[%dma_wait3A_207, %dma_wait3A_208, %dma_wait3A_209] : memref<2x128x128xf32, #tpu.memory_space<vmem>> -> memref<1x128x128xf32, #tpu.memory_space<vmem>>
      %dma_wait3A_211 = tpu.memref_squeeze %dma_wait3A_210 : memref<1x128x128xf32, #tpu.memory_space<vmem>> -> memref<128x128xf32, #tpu.memory_space<vmem>>
      %dma_wait3A_212 = arith.constant 0 : i32
      %dma_wait3A_213 = tpu.memref_slice %arg9[%add3A_206, %dma_wait3A_212] : memref<160x128xi32, #tpu.memory_space<vmem>> -> memref<1x128xi32, #tpu.memory_space<vmem>>
      %dma_wait3A_214 = tpu.memref_squeeze %dma_wait3A_213 : memref<1x128xi32, #tpu.memory_space<vmem>> -> memref<128xi32, #tpu.memory_space<vmem>>
      %dma_wait3A_215 = arith.constant 0 : i32
      %dma_wait3A_216 = arith.constant 0 : i32
      %dma_wait3A_217 = tpu.memref_slice %arg12[%dma_wait3A_215, %dma_wait3A_216] : memref<5128x128xf32, #tpu.memory_space<vmem_shared>> -> memref<5128x128xf32, #tpu.memory_space<vmem_shared>>
      tpu.wait_indirect_dma semaphore(%arg16 : memref<!tpu.dma_semaphore, #tpu.memory_space<semaphore_mem>>) src(%dma_wait3A_211 : memref<128x128xf32, #tpu.memory_space<vmem>>) dst(%dma_wait3A_217 : memref<5128x128xf32, #tpu.memory_space<vmem_shared>>)
      %dma_start3A_218 = arith.constant 1 : i32
      %dma_start3A_219 = arith.constant 0 : i32
      %dma_start3A_220 = arith.constant 0 : i32
      %dma_start3A_221 = tpu.memref_slice %arg10[%dma_start3A_218, %dma_start3A_219, %dma_start3A_220] : memref<2x128x128xf32, #tpu.memory_space<vmem>> -> memref<1x128x128xf32, #tpu.memory_space<vmem>>
      %dma_start3A_222 = tpu.memref_squeeze %dma_start3A_221 : memref<1x128x128xf32, #tpu.memory_space<vmem>> -> memref<128x128xf32, #tpu.memory_space<vmem>>
      %dma_start3A_223 = arith.constant 0 : i32
      %dma_start3A_224 = tpu.memref_slice %arg8[%min3A_182, %dma_start3A_223] : memref<160x128xi32, #tpu.memory_space<vmem>> -> memref<1x128xi32, #tpu.memory_space<vmem>>
      %dma_start3A_225 = tpu.memref_squeeze %dma_start3A_224 : memref<1x128xi32, #tpu.memory_space<vmem>> -> memref<128xi32, #tpu.memory_space<vmem>>
      %dma_start3A_226 = arith.constant 0 : i32
      %dma_start3A_227 = arith.constant 0 : i32
      %dma_start3A_228 = tpu.memref_slice %arg2[%dma_start3A_226, %dma_start3A_227] : memref<10240x128xf32, #tpu.memory_space<hbm>> -> memref<10240x128xf32, #tpu.memory_space<hbm>>
      tpu.enqueue_indirect_dma source(%dma_start3A_228 : memref<10240x128xf32, #tpu.memory_space<hbm>>) target(%dma_start3A_222 : memref<128x128xf32, #tpu.memory_space<vmem>>) offsets(%dma_start3A_225 : memref<128xi32, #tpu.memory_space<vmem>>) semaphore(%arg14 : memref<!tpu.dma_semaphore, #tpu.memory_space<semaphore_mem>>)
      %while3A_229 = arith.constant 0 : i32
      scf.yield %while3A_229 : i32
    }
    %while3A_97 = arith.constant 1 : i32
    %while3A_98 = scf.for %while3A_126 = %while3A_94 to %while3A_90 step %while3A_97 iter_args(%while3A_127 = %while3A_96) -> (i32)  : i32 {
      %mul3A_128 = arith.constant 2 : i32
      %mul3A_129 = arith.muli %mul3A_128, %while3A_126 : i32
      %dma_wait3A_130 = arith.constant 0 : i32
      %dma_wait3A_131 = arith.constant 0 : i32
      %dma_wait3A_132 = arith.constant 0 : i32
      %dma_wait3A_133 = tpu.memref_slice %arg10[%dma_wait3A_130, %dma_wait3A_131, %dma_wait3A_132] : memref<2x128x128xf32, #tpu.memory_space<vmem>> -> memref<1x128x128xf32, #tpu.memory_space<vmem>>
      %dma_wait3A_134 = tpu.memref_squeeze %dma_wait3A_133 : memref<1x128x128xf32, #tpu.memory_space<vmem>> -> memref<128x128xf32, #tpu.memory_space<vmem>>
      %dma_wait3A_135 = arith.constant 0 : i32
      %dma_wait3A_136 = tpu.memref_slice %arg8[%mul3A_129, %dma_wait3A_135] : memref<160x128xi32, #tpu.memory_space<vmem>> -> memref<1x128xi32, #tpu.memory_space<vmem>>
      %dma_wait3A_137 = tpu.memref_squeeze %dma_wait3A_136 : memref<1x128xi32, #tpu.memory_space<vmem>> -> memref<128xi32, #tpu.memory_space<vmem>>
      %dma_wait3A_138 = arith.constant 0 : i32
      %dma_wait3A_139 = arith.constant 0 : i32
      %dma_wait3A_140 = tpu.memref_slice %arg2[%dma_wait3A_138, %dma_wait3A_139] : memref<10240x128xf32, #tpu.memory_space<hbm>> -> memref<10240x128xf32, #tpu.memory_space<hbm>>
      tpu.wait_indirect_dma semaphore(%arg13 : memref<!tpu.dma_semaphore, #tpu.memory_space<semaphore_mem>>) src(%dma_wait3A_140 : memref<10240x128xf32, #tpu.memory_space<hbm>>) dst(%dma_wait3A_134 : memref<128x128xf32, #tpu.memory_space<vmem>>)
      %dma_start3A_141 = arith.constant 0 : i32
      %dma_start3A_142 = arith.constant 0 : i32
      %dma_start3A_143 = arith.constant 0 : i32
      %dma_start3A_144 = tpu.memref_slice %arg10[%dma_start3A_141, %dma_start3A_142, %dma_start3A_143] : memref<2x128x128xf32, #tpu.memory_space<vmem>> -> memref<1x128x128xf32, #tpu.memory_space<vmem>>
      %dma_start3A_145 = tpu.memref_squeeze %dma_start3A_144 : memref<1x128x128xf32, #tpu.memory_space<vmem>> -> memref<128x128xf32, #tpu.memory_space<vmem>>
      %dma_start3A_146 = arith.constant 0 : i32
      %dma_start3A_147 = tpu.memref_slice %arg9[%mul3A_129, %dma_start3A_146] : memref<160x128xi32, #tpu.memory_space<vmem>> -> memref<1x128xi32, #tpu.memory_space<vmem>>
      %dma_start3A_148 = tpu.memref_squeeze %dma_start3A_147 : memref<1x128xi32, #tpu.memory_space<vmem>> -> memref<128xi32, #tpu.memory_space<vmem>>
      %dma_start3A_149 = arith.constant 0 : i32
      %dma_start3A_150 = arith.constant 0 : i32
      %dma_start3A_151 = tpu.memref_slice %arg12[%dma_start3A_149, %dma_start3A_150] : memref<5128x128xf32, #tpu.memory_space<vmem_shared>> -> memref<5128x128xf32, #tpu.memory_space<vmem_shared>>
      tpu.enqueue_indirect_dma source(%dma_start3A_145 : memref<128x128xf32, #tpu.memory_space<vmem>>) target(%dma_start3A_151 : memref<5128x128xf32, #tpu.memory_space<vmem_shared>>) offsets(%dma_start3A_148 : memref<128xi32, #tpu.memory_space<vmem>>) semaphore(%arg15 : memref<!tpu.dma_semaphore, #tpu.memory_space<semaphore_mem>>) {add = true}
      %add3A_152 = arith.constant 1 : i32
      %add3A_153 = arith.addi %mul3A_129, %add3A_152 : i32
      %dma_wait3A_154 = arith.constant 1 : i32
      %dma_wait3A_155 = arith.constant 0 : i32
      %dma_wait3A_156 = arith.constant 0 : i32
      %dma_wait3A_157 = tpu.memref_slice %arg10[%dma_wait3A_154, %dma_wait3A_155, %dma_wait3A_156] : memref<2x128x128xf32, #tpu.memory_space<vmem>> -> memref<1x128x128xf32, #tpu.memory_space<vmem>>
      %dma_wait3A_158 = tpu.memref_squeeze %dma_wait3A_157 : memref<1x128x128xf32, #tpu.memory_space<vmem>> -> memref<128x128xf32, #tpu.memory_space<vmem>>
      %dma_wait3A_159 = arith.constant 0 : i32
      %dma_wait3A_160 = tpu.memref_slice %arg8[%add3A_153, %dma_wait3A_159] : memref<160x128xi32, #tpu.memory_space<vmem>> -> memref<1x128xi32, #tpu.memory_space<vmem>>
      %dma_wait3A_161 = tpu.memref_squeeze %dma_wait3A_160 : memref<1x128xi32, #tpu.memory_space<vmem>> -> memref<128xi32, #tpu.memory_space<vmem>>
      %dma_wait3A_162 = arith.constant 0 : i32
      %dma_wait3A_163 = arith.constant 0 : i32
      %dma_wait3A_164 = tpu.memref_slice %arg2[%dma_wait3A_162, %dma_wait3A_163] : memref<10240x128xf32, #tpu.memory_space<hbm>> -> memref<10240x128xf32, #tpu.memory_space<hbm>>
      tpu.wait_indirect_dma semaphore(%arg14 : memref<!tpu.dma_semaphore, #tpu.memory_space<semaphore_mem>>) src(%dma_wait3A_164 : memref<10240x128xf32, #tpu.memory_space<hbm>>) dst(%dma_wait3A_158 : memref<128x128xf32, #tpu.memory_space<vmem>>)
      %add3A_165 = arith.constant 1 : i32
      %add3A_166 = arith.addi %mul3A_129, %add3A_165 : i32
      %dma_start3A_167 = arith.constant 1 : i32
      %dma_start3A_168 = arith.constant 0 : i32
      %dma_start3A_169 = arith.constant 0 : i32
      %dma_start3A_170 = tpu.memref_slice %arg10[%dma_start3A_167, %dma_start3A_168, %dma_start3A_169] : memref<2x128x128xf32, #tpu.memory_space<vmem>> -> memref<1x128x128xf32, #tpu.memory_space<vmem>>
      %dma_start3A_171 = tpu.memref_squeeze %dma_start3A_170 : memref<1x128x128xf32, #tpu.memory_space<vmem>> -> memref<128x128xf32, #tpu.memory_space<vmem>>
      %dma_start3A_172 = arith.constant 0 : i32
      %dma_start3A_173 = tpu.memref_slice %arg9[%add3A_166, %dma_start3A_172] : memref<160x128xi32, #tpu.memory_space<vmem>> -> memref<1x128xi32, #tpu.memory_space<vmem>>
      %dma_start3A_174 = tpu.memref_squeeze %dma_start3A_173 : memref<1x128xi32, #tpu.memory_space<vmem>> -> memref<128xi32, #tpu.memory_space<vmem>>
      %dma_start3A_175 = arith.constant 0 : i32
      %dma_start3A_176 = arith.constant 0 : i32
      %dma_start3A_177 = tpu.memref_slice %arg12[%dma_start3A_175, %dma_start3A_176] : memref<5128x128xf32, #tpu.memory_space<vmem_shared>> -> memref<5128x128xf32, #tpu.memory_space<vmem_shared>>
      tpu.enqueue_indirect_dma source(%dma_start3A_171 : memref<128x128xf32, #tpu.memory_space<vmem>>) target(%dma_start3A_177 : memref<5128x128xf32, #tpu.memory_space<vmem_shared>>) offsets(%dma_start3A_174 : memref<128xi32, #tpu.memory_space<vmem>>) semaphore(%arg16 : memref<!tpu.dma_semaphore, #tpu.memory_space<semaphore_mem>>) {add = true}
      %add3A_178 = arith.constant 2 : i32
      %add3A_179 = arith.addi %mul3A_129, %add3A_178 : i32
      %min3A = arith.minsi %add3A_179, %sub3A_45 : i32
      %add3A_180 = arith.constant 3 : i32
      %add3A_181 = arith.addi %mul3A_129, %add3A_180 : i32
      %min3A_182 = arith.minsi %add3A_181, %sub3A_45 : i32
      %dma_wait3A_183 = arith.constant 0 : i32
      %dma_wait3A_184 = arith.constant 0 : i32
      %dma_wait3A_185 = arith.constant 0 : i32
      %dma_wait3A_186 = tpu.memref_slice %arg10[%dma_wait3A_183, %dma_wait3A_184, %dma_wait3A_185] : memref<2x128x128xf32, #tpu.memory_space<vmem>> -> memref<1x128x128xf32, #tpu.memory_space<vmem>>
      %dma_wait3A_187 = tpu.memref_squeeze %dma_wait3A_186 : memref<1x128x128xf32, #tpu.memory_space<vmem>> -> memref<128x128xf32, #tpu.memory_space<vmem>>
      %dma_wait3A_188 = arith.constant 0 : i32
      %dma_wait3A_189 = tpu.memref_slice %arg9[%mul3A_129, %dma_wait3A_188] : memref<160x128xi32, #tpu.memory_space<vmem>> -> memref<1x128xi32, #tpu.memory_space<vmem>>
      %dma_wait3A_190 = tpu.memref_squeeze %dma_wait3A_189 : memref<1x128xi32, #tpu.memory_space<vmem>> -> memref<128xi32, #tpu.memory_space<vmem>>
      %dma_wait3A_191 = arith.constant 0 : i32
      %dma_wait3A_192 = arith.constant 0 : i32
      %dma_wait3A_193 = tpu.memref_slice %arg12[%dma_wait3A_191, %dma_wait3A_192] : memref<5128x128xf32, #tpu.memory_space<vmem_shared>> -> memref<5128x128xf32, #tpu.memory_space<vmem_shared>>
      tpu.wait_indirect_dma semaphore(%arg15 : memref<!tpu.dma_semaphore, #tpu.memory_space<semaphore_mem>>) src(%dma_wait3A_187 : memref<128x128xf32, #tpu.memory_space<vmem>>) dst(%dma_wait3A_193 : memref<5128x128xf32, #tpu.memory_space<vmem_shared>>)
      %dma_start3A_194 = arith.constant 0 : i32
      %dma_start3A_195 = arith.constant 0 : i32
      %dma_start3A_196 = arith.constant 0 : i32
      %dma_start3A_197 = tpu.memref_slice %arg10[%dma_start3A_194, %dma_start3A_195, %dma_start3A_196] : memref<2x128x128xf32, #tpu.memory_space<vmem>> -> memref<1x128x128xf32, #tpu.memory_space<vmem>>
      %dma_start3A_198 = tpu.memref_squeeze %dma_start3A_197 : memref<1x128x128xf32, #tpu.memory_space<vmem>> -> memref<128x128xf32, #tpu.memory_space<vmem>>
      %dma_start3A_199 = arith.constant 0 : i32
      %dma_start3A_200 = tpu.memref_slice %arg8[%min3A, %dma_start3A_199] : memref<160x128xi32, #tpu.memory_space<vmem>> -> memref<1x128xi32, #tpu.memory_space<vmem>>
      %dma_start3A_201 = tpu.memref_squeeze %dma_start3A_200 : memref<1x128xi32, #tpu.memory_space<vmem>> -> memref<128xi32, #tpu.memory_space<vmem>>
      %dma_start3A_202 = arith.constant 0 : i32
      %dma_start3A_203 = arith.constant 0 : i32
      %dma_start3A_204 = tpu.memref_slice %arg2[%dma_start3A_202, %dma_start3A_203] : memref<10240x128xf32, #tpu.memory_space<hbm>> -> memref<10240x128xf32, #tpu.memory_space<hbm>>
      tpu.enqueue_indirect_dma source(%dma_start3A_204 : memref<10240x128xf32, #tpu.memory_space<hbm>>) target(%dma_start3A_198 : memref<128x128xf32, #tpu.memory_space<vmem>>) offsets(%dma_start3A_201 : memref<128xi32, #tpu.memory_space<vmem>>) semaphore(%arg13 : memref<!tpu.dma_semaphore, #tpu.memory_space<semaphore_mem>>)
      %add3A_205 = arith.constant 1 : i32
      %add3A_206 = arith.addi %mul3A_129, %add3A_205 : i32
      %dma_wait3A_207 = arith.constant 1 : i32
      %dma_wait3A_208 = arith.constant 0 : i32
      %dma_wait3A_209 = arith.constant 0 : i32
      %dma_wait3A_210 = tpu.memref_slice %arg10[%dma_wait3A_207, %dma_wait3A_208, %dma_wait3A_209] : memref<2x128x128xf32, #tpu.memory_space<vmem>> -> memref<1x128x128xf32, #tpu.memory_space<vmem>>
      %dma_wait3A_211 = tpu.memref_squeeze %dma_wait3A_210 : memref<1x128x128xf32, #tpu.memory_space<vmem>> -> memref<128x128xf32, #tpu.memory_space<vmem>>
      %dma_wait3A_212 = arith.constant 0 : i32
      %dma_wait3A_213 = tpu.memref_slice %arg9[%add3A_206, %dma_wait3A_212] : memref<160x128xi32, #tpu.memory_space<vmem>> -> memref<1x128xi32, #tpu.memory_space<vmem>>
      %dma_wait3A_214 = tpu.memref_squeeze %dma_wait3A_213 : memref<1x128xi32, #tpu.memory_space<vmem>> -> memref<128xi32, #tpu.memory_space<vmem>>
      %dma_wait3A_215 = arith.constant 0 : i32
      %dma_wait3A_216 = arith.constant 0 : i32
      %dma_wait3A_217 = tpu.memref_slice %arg12[%dma_wait3A_215, %dma_wait3A_216] : memref<5128x128xf32, #tpu.memory_space<vmem_shared>> -> memref<5128x128xf32, #tpu.memory_space<vmem_shared>>
      tpu.wait_indirect_dma semaphore(%arg16 : memref<!tpu.dma_semaphore, #tpu.memory_space<semaphore_mem>>) src(%dma_wait3A_211 : memref<128x128xf32, #tpu.memory_space<vmem>>) dst(%dma_wait3A_217 : memref<5128x128xf32, #tpu.memory_space<vmem_shared>>)
      %dma_start3A_218 = arith.constant 1 : i32
      %dma_start3A_219 = arith.constant 0 : i32
      %dma_start3A_220 = arith.constant 0 : i32
      %dma_start3A_221 = tpu.memref_slice %arg10[%dma_start3A_218, %dma_start3A_219, %dma_start3A_220] : memref<2x128x128xf32, #tpu.memory_space<vmem>> -> memref<1x128x128xf32, #tpu.memory_space<vmem>>
      %dma_start3A_222 = tpu.memref_squeeze %dma_start3A_221 : memref<1x128x128xf32, #tpu.memory_space<vmem>> -> memref<128x128xf32, #tpu.memory_space<vmem>>
      %dma_start3A_223 = arith.constant 0 : i32
      %dma_start3A_224 = tpu.memref_slice %arg8[%min3A_182, %dma_start3A_223] : memref<160x128xi32, #tpu.memory_space<vmem>> -> memref<1x128xi32, #tpu.memory_space<vmem>>
      %dma_start3A_225 = tpu.memref_squeeze %dma_start3A_224 : memref<1x128xi32, #tpu.memory_space<vmem>> -> memref<128xi32, #tpu.memory_space<vmem>>
      %dma_start3A_226 = arith.constant 0 : i32
      %dma_start3A_227 = arith.constant 0 : i32
      %dma_start3A_228 = tpu.memref_slice %arg2[%dma_start3A_226, %dma_start3A_227] : memref<10240x128xf32, #tpu.memory_space<hbm>> -> memref<10240x128xf32, #tpu.memory_space<hbm>>
      tpu.enqueue_indirect_dma source(%dma_start3A_228 : memref<10240x128xf32, #tpu.memory_space<hbm>>) target(%dma_start3A_222 : memref<128x128xf32, #tpu.memory_space<vmem>>) offsets(%dma_start3A_225 : memref<128xi32, #tpu.memory_space<vmem>>) semaphore(%arg14 : memref<!tpu.dma_semaphore, #tpu.memory_space<semaphore_mem>>)
      %while3A_229 = arith.constant 0 : i32
      scf.yield %while3A_229 : i32
    }
    %dma_wait3A = arith.constant 0 : i32
    %dma_wait3A_99 = arith.constant 0 : i32
    %dma_wait3A_100 = arith.constant 0 : i32
    %dma_wait3A_101 = tpu.memref_slice %arg10[%dma_wait3A, %dma_wait3A_99, %dma_wait3A_100] : memref<2x128x128xf32, #tpu.memory_space<vmem>> -> memref<1x128x128xf32, #tpu.memory_space<vmem>>
    %dma_wait3A_102 = tpu.memref_squeeze %dma_wait3A_101 : memref<1x128x128xf32, #tpu.memory_space<vmem>> -> memref<128x128xf32, #tpu.memory_space<vmem>>
    %dma_wait3A_103 = arith.constant 0 : i32
    %dma_wait3A_104 = tpu.memref_slice %arg8[%sub3A_45, %dma_wait3A_103] : memref<160x128xi32, #tpu.memory_space<vmem>> -> memref<1x128xi32, #tpu.memory_space<vmem>>
    %dma_wait3A_105 = tpu.memref_squeeze %dma_wait3A_104 : memref<1x128xi32, #tpu.memory_space<vmem>> -> memref<128xi32, #tpu.memory_space<vmem>>
    %dma_wait3A_106 = arith.constant 0 : i32
    %dma_wait3A_107 = arith.constant 0 : i32
    %dma_wait3A_108 = tpu.memref_slice %arg2[%dma_wait3A_106, %dma_wait3A_107] : memref<10240x128xf32, #tpu.memory_space<hbm>> -> memref<10240x128xf32, #tpu.memory_space<hbm>>
    tpu.wait_indirect_dma semaphore(%arg13 : memref<!tpu.dma_semaphore, #tpu.memory_space<semaphore_mem>>) src(%dma_wait3A_108 : memref<10240x128xf32, #tpu.memory_space<hbm>>) dst(%dma_wait3A_102 : memref<128x128xf32, #tpu.memory_space<vmem>>)
    %dma_wait3A_109 = arith.constant 1 : i32
    %dma_wait3A_110 = arith.constant 0 : i32
    %dma_wait3A_111 = arith.constant 0 : i32
    %dma_wait3A_112 = tpu.memref_slice %arg10[%dma_wait3A_109, %dma_wait3A_110, %dma_wait3A_111] : memref<2x128x128xf32, #tpu.memory_space<vmem>> -> memref<1x128x128xf32, #tpu.memory_space<vmem>>
    %dma_wait3A_113 = tpu.memref_squeeze %dma_wait3A_112 : memref<1x128x128xf32, #tpu.memory_space<vmem>> -> memref<128x128xf32, #tpu.memory_space<vmem>>
    %dma_wait3A_114 = arith.constant 0 : i32
    %dma_wait3A_115 = tpu.memref_slice %arg8[%sub3A_45, %dma_wait3A_114] : memref<160x128xi32, #tpu.memory_space<vmem>> -> memref<1x128xi32, #tpu.memory_space<vmem>>
    %dma_wait3A_116 = tpu.memref_squeeze %dma_wait3A_115 : memref<1x128xi32, #tpu.memory_space<vmem>> -> memref<128xi32, #tpu.memory_space<vmem>>
    %dma_wait3A_117 = arith.constant 0 : i32
    %dma_wait3A_118 = arith.constant 0 : i32
    %dma_wait3A_119 = tpu.memref_slice %arg2[%dma_wait3A_117, %dma_wait3A_118] : memref<10240x128xf32, #tpu.memory_space<hbm>> -> memref<10240x128xf32, #tpu.memory_space<hbm>>
    tpu.wait_indirect_dma semaphore(%arg14 : memref<!tpu.dma_semaphore, #tpu.memory_space<semaphore_mem>>) src(%dma_wait3A_119 : memref<10240x128xf32, #tpu.memory_space<hbm>>) dst(%dma_wait3A_113 : memref<128x128xf32, #tpu.memory_space<vmem>>)
    %barrier3A_120 = arith.constant 0 : index
    tpu.barrier barrier_id(%barrier3A_120)
    %mul3A_121 = arith.constant 320 : i32
    %mul3A_122 = arith.muli %arg1, %mul3A_121 : i32
    %mul3A_123 = arith.constant 320 : i32
    %mul3A_124 = arith.muli %arg1, %mul3A_123 : i32
    %add3A_125 = arith.addi %mul3A_0, %mul3A_124 : i32
    "tpu.region"() ({
      %run_scoped3A_126 = tpu.sem_alloc : memref<!tpu.dma_semaphore, #tpu.memory_space<semaphore_mem>>
      %dma_start3A_127 = arith.constant 0 : i32
      %dma_start3A_128 = tpu.memref_slice %arg7[%add3A_125, %dma_start3A_127] : memref<10240x128xf32, #tpu.memory_space<hbm>> -> memref<320x128xf32, #tpu.memory_space<hbm>>
      %dma_start3A_129 = arith.constant 0 : i32
      %dma_start3A_130 = tpu.memref_slice %arg12[%mul3A_122, %dma_start3A_129] : memref<5128x128xf32, #tpu.memory_space<vmem_shared>> -> memref<320x128xf32, #tpu.memory_space<vmem_shared>>
      tpu.enqueue_dma source(%dma_start3A_130 : memref<320x128xf32, #tpu.memory_space<vmem_shared>>) target(%dma_start3A_128 : memref<320x128xf32, #tpu.memory_space<hbm>>) target_semaphore(%run_scoped3A_126 : memref<!tpu.dma_semaphore, #tpu.memory_space<semaphore_mem>>)
      %dma_wait3A_131 = arith.constant 0 : i32
      %dma_wait3A_132 = tpu.memref_slice %arg7[%add3A_125, %dma_wait3A_131] : memref<10240x128xf32, #tpu.memory_space<hbm>> -> memref<320x128xf32, #tpu.memory_space<hbm>>
      %dma_wait3A_133 = arith.constant 0 : i32
      %dma_wait3A_134 = tpu.memref_slice %arg12[%mul3A_122, %dma_wait3A_133] : memref<5128x128xf32, #tpu.memory_space<vmem_shared>> -> memref<320x128xf32, #tpu.memory_space<vmem_shared>>
      tpu.wait_dma2 semaphore(%run_scoped3A_126 : memref<!tpu.dma_semaphore, #tpu.memory_space<semaphore_mem>>) src(%dma_wait3A_134 : memref<320x128xf32, #tpu.memory_space<vmem_shared>>) dst(%dma_wait3A_132 : memref<320x128xf32, #tpu.memory_space<hbm>>)
      tpu.yield
    }) : () -> ()
    return
  }
}

</mosaic_0001>

<sc_bundles>
// kernel: wrapper.3.cloned.1.call-start
scs
__scs_entry_jumppad:
0x0: {  	(pc) =	sbr.rel $0x88, $3  }
0x1: {  	(tag) =	ssettag $0x0;
	lr =	simm.s32 $0x1  }
0x2: {  	[smem:$0x3F9C] =	sst lr;
	_ =	strace $0xD0000000  }
0x3: {  	_ = 	snop  }
0x4: {  	_ = 	snop  }
0x5: {  	_ = 	snop  }
0x6: {  	_ = 	snop  }
0x7: {  	_ = 	snop  }
__scs_overlays_trampoline_lowered:
0x8: {  	[smem:$0x3FAB] =	sst s0  }
0x9: {  	[smem:$0x3FAC] =	sst s1  }
0xa: {  	[smem:$0x3FAD] =	sst s2  }
0xb: {  	[smem:$0x3FAE] =	sst s3  }
0xc: {  	[smem:$0x3FAF] =	sst s4  }
0xd: {  	[smem:$0x3FB0] =	sst s5  }
0xe: {  	[smem:$0x3FB1] =	sst s6  }
0xf: {  	[smem:$0x3FB2] =	sst s7  }
0x10: {  	[smem:$0x3FB3] =	sst s8  }
0x11: {  	[smem:$0x3FB4] =	sst s9;
	s0 =	simm.s32 @!p0 $0x0  }
0x12: {  	s1 =	sld [smem:$0x3F9A];
	s0 =	simm.s32 @p0 $0x1  }
0x13: {  	[smem:$0x3FB5] =	sst s0;
	s0 =	simm.s32 @!p1 $0x0  }
0x14: {  	s2 =	sld [smem:$0x3F99];
	s0 =	simm.s32 @p1 $0x1  }
0x15: {  	[smem:$0x3FB6] =	sst s0;
	s0 =	simm.s32 @!p2 $0x0  }
0x16: {  	s3 =	sld [smem:$0x3FDB];
	s0 =	simm.s32 @p2 $0x1  }
0x17: {  	s4 =	simm.s32 $0x1BF5;
	[smem:$0x3FB8] =	sst s0  }
0x18: {  	s0 =	sld [smem:$0x3F9B];
	_ =	swait.ge [sflag:s4], $0x0  }
0x19: {  	s7 =	sld [smem:$0x3F9C]  }
0x1a: {  	s8 =	sadd.s32 $0xFFFFE003, lr  }
0x1b: {  	s9 =	sadd.s32 $0xFFFFFEF7, lr;
	s5 =	simm.s32 $0xFFFFFFFF;
	p2 =	slt.u32 s8, $0xFFFFF086  }
0x1c: {  	p1 =	slt.u32 s9, $0xF7A;
	s5 =	simm.s32 @!p2 $0x0  }
0x1d: {  	s5 =	simm.s32 @p1 $0x1;
	p0 =	seq.s32 s7, s2  }
0x1e: {  	s7 =	smul.u32 @!p0 $0xF7A, s2;
	p2 =	seq.s32 @!p0 s5, $0x0  }
0x1f: {  	s9 =	smul.u32 $0xF7A, s1;
	s8 =	simm.s32 @!p0 $0x1BF5;
	p2 =	por !p2, p0  }
0x20: {  	[sflag:s8] =	ssyncset.s32 @!p0 $0xFFFFF086;
	s6 =	sadd.s32 @!p0 s3, s7;
	s7 =	simm.s32 @!p0 $0x108  }
0x21: {  	s3 =	sadd.s32 s3, s9;
	s6 =	sadd.s32 @!p0 $0x88, s6;
	s7 =	simm.s32 @p2 $0x1082  }
0x22: {  	[simem:s7], [sflag:s8] =	dma.local @!p0 [hbm:s6], $0xF7A  }
0x23: {  	s9 =	sor.u32 $0xD0000000, s2;
	s6 =	simm.s32 $0x108;
	_ =	swait.ge @!p0 [sflag:s8], $0x0  }
0x24: {  	s3 =	sadd.s32 $0x88, s3;
	s6 =	simm.s32 @!p1 $0x1082;
	[sflag:s4] =	ssyncset.s32 $0xFFFFF086  }
0x25: {  	[simem:s6], [sflag:s4] =	dma.local [hbm:s3], $0xF7A  }
0x26: {  	[smem:$0x3F9C] =	sst s1;
	(tag) =	ssettag s2;
	_ =	strace s9  }
0x27: {  	s1 =	sld [smem:$0x3FAC]  }
0x28: {  	s2 =	sld [smem:$0x3FAD]  }
0x29: {  	s4 =	sld [smem:$0x3FAF]  }
0x2a: {  	p0 =	seq.s32 s5, $0x0;
	s5 =	sld [smem:$0x3FB0]  }
0x2b: {  	s6 =	sld [smem:$0x3FB1]  }
0x2c: {  	s7 =	sld [smem:$0x3FB2]  }
0x2d: {  	s3 =	simm.s32 $0x108;
	s8 =	sld [smem:$0x3FB3]  }
0x2e: {  	s3 =	simm.s32 @!p0 $0x1082;
	s9 =	sld [smem:$0x3FB4]  }
0x2f: {  	lr =	sadd.s32 s0, s3;
	s0 =	sld [smem:$0x3FAB]  }
0x30: {  	s3 =	sld [smem:$0x3FAE]  }
0x31: {  	[smem:$0x3FB7] =	sst s10  }
0x32: {  	s10 =	sld [smem:$0x3FB5];
	_ =	sdelay $0x3  }
0x33: {  	p0 =	seq.s32 s10, $0x1;
	s10 =	sld [smem:$0x3FB7];
	_ =	sdelay $0x3  }
0x34: {  	[smem:$0x3FB7] =	sst s10  }
0x35: {  	s10 =	sld [smem:$0x3FB6];
	_ =	sdelay $0x3  }
0x36: {  	p1 =	seq.s32 s10, $0x1;
	s10 =	sld [smem:$0x3FB7];
	_ =	sdelay $0x3  }
0x37: {  	[smem:$0x3FB7] =	sst s10  }
0x38: {  	s10 =	sld [smem:$0x3FB8]  }
0x39: {  	_ = 	snop;
	(pc) =	sbr.ind lr, $3  }
0x3a: {  	_ = 	snop  }
0x3b: {  	_ = 	snop  }
0x3c: {  	p2 =	seq.s32 s10, $0x1;
	s10 =	sld [smem:$0x3FB7]  }
0x3d: {  	_ =	shalt  }
0x3e: {  	_ =	shalt  }
0x3f: {  	_ =	shalt  }
0x40: {  	_ =	shalt  }
0x41: {  	_ =	shalt  }
0x42: {  	_ =	shalt  }
0x43: {  	_ =	shalt  }
0x44: {  	_ =	shalt  }
0x45: {  	_ =	shalt  }
0x46: {  	_ =	shalt  }
0x47: {  	_ =	shalt  }
0x48: {  	_ =	shalt  }
0x49: {  	_ =	shalt  }
0x4a: {  	_ =	shalt  }
0x4b: {  	_ =	shalt  }
0x4c: {  	_ =	shalt  }
0x4d: {  	_ =	shalt  }
0x4e: {  	_ =	shalt  }
0x4f: {  	_ =	shalt  }
0x50: {  	_ =	shalt  }
0x51: {  	_ =	shalt  }
0x52: {  	_ =	shalt  }
0x53: {  	_ =	shalt  }
0x54: {  	_ =	shalt  }
0x55: {  	_ =	shalt  }
0x56: {  	_ =	shalt  }
0x57: {  	_ =	shalt  }
0x58: {  	_ =	shalt  }
0x59: {  	_ =	shalt  }
0x5a: {  	_ =	shalt  }
0x5b: {  	_ =	shalt  }
0x5c: {  	_ =	shalt  }
0x5d: {  	_ =	shalt  }
0x5e: {  	_ =	shalt  }
0x5f: {  	_ =	shalt  }
0x60: {  	_ =	shalt  }
0x61: {  	_ =	shalt  }
0x62: {  	_ =	shalt  }
0x63: {  	_ =	shalt  }
0x64: {  	_ =	shalt  }
0x65: {  	_ =	shalt  }
0x66: {  	_ =	shalt  }
0x67: {  	_ =	shalt  }
0x68: {  	_ =	shalt  }
0x69: {  	_ =	shalt  }
0x6a: {  	_ =	shalt  }
0x6b: {  	_ =	shalt  }
0x6c: {  	_ =	shalt  }
0x6d: {  	_ =	shalt  }
0x6e: {  	_ =	shalt  }
0x6f: {  	_ =	shalt  }
0x70: {  	_ =	shalt  }
0x71: {  	_ =	shalt  }
0x72: {  	_ =	shalt  }
0x73: {  	_ =	shalt  }
0x74: {  	_ =	shalt  }
0x75: {  	_ =	shalt  }
0x76: {  	_ =	shalt  }
0x77: {  	_ =	shalt  }
0x78: {  	_ =	shalt  }
0x79: {  	_ =	shalt  }
0x7a: {  	_ =	shalt  }
0x7b: {  	_ =	shalt  }
0x7c: {  	_ =	shalt  }
0x7d: {  	_ =	shalt  }
0x7e: {  	_ =	shalt  }
0x7f: {  	_ =	shalt  }
0x80: {  	_ =	shalt  }
0x81: {  	_ =	shalt  }
0x82: {  	_ =	shalt  }
0x83: {  	_ =	shalt  }
0x84: {  	_ =	shalt  }
0x85: {  	_ =	shalt  }
0x86: {  	_ =	shalt  }
0x87: {  	_ =	shalt  }
.Lfunc_end0:
.L_simem_size_0:
called_computation_lowered:
.L_overlay_start_0:
0x88: {  	s2 =	sld [smem:$0x3FD9]  }
0x89: {  	s3 =	sld [smem:$0x3FFE];
	_ =	sdelay $0x1  }
0x8a: {  	s1 =	srdreg.scid  }
0x8b: {  	s0 =	sand.u32 $0x1, s1  }
0x8c: {  	s17 =	sshll.u32 s0, $0xA;
	s2 =	sadd.s32 s3, s2  }
0x8d: {  	s2 =	sadd.s32 s2, s17  }
0x8e: {  	[smem:$0x3FC3] =	sst s2  }
0x8f: {  	_ = 	snop  }
0x90: {  	s2 =	sld [smem:$0x3FC9]  }
0x91: {  	s18 =	sld [smem:$0x3FC8]  }
0x92: {  	s4 =	sld [smem:$0x3FC7]  }
0x93: {  	s5 =	sld [smem:$0x3FC5]  }
0x94: {  	s6 =	sld [smem:$0x3FD0];
	(tm) =	ssettm $0x1  }
0x95: {  	s7 =	sld [smem:$0x3FFB];
	_ =	sdelay $0x3  }
0x96: {  	_ =	strace s7  }
0x97: {  	s7 =	sld [smem:$0x3FFC];
	_ =	sdelay $0x3  }
0x98: {  	_ =	strace s7  }
0x99: {  	s7 =	sld [smem:$0x3FFD];
	_ =	sdelay $0x3  }
0x9a: {  	_ =	strace s7  }
0x9b: {  	_ =	strace $0x8FFFFFFF  }
0x9c: {  	s19 =	sld [smem:$0x3FDB];
	_ =	sdelay $0x1  }
0x9d: {  	s8 =	simm.s32 $_scs_section_size  }
0x9e: {  	s9 =	simm.s32 $_size__tile_overlayer_lowered;
	s10 =	simm.s32 $_tile_overlayer_lowered  }
0x9f: {  	s22 =	simm.s32 $0x1BFF;
	s21 =	sshll.u32 s10, $0x1;
	s7 =	sadd.s32 s8, s19  }
0xa0: {  	s11 =	simm.s32 $0x0;
	s20 =	sshll.u32 s9, $0x1;
	s9 =	sadd.s32 s21, s7  }
0xa1: {  	[timem:s11], [sflag:s22] =	dma.local [hbm:s9], s20  }
0xa2: {  	_ =	swait.ge [sflag:s22], s20  }
0xa3: {  	s8 =	ssub.s32 $0x0, s20;
	[sflag:s22] =	ssyncset.done $0x0  }
0xa4: {  	[sflag:s22] =	ssyncadd.s32 s8;
	_ =	sdelay $0x1  }
0xa5: {  	s23 =	simm.s32 $0x1B8B  }
0xa6: {  	_ =	swait.ge [sflag:s23], $0x1  }
0xa7: {  	[sflag:s23] =	ssyncset.done $0x0  }
0xa8: {  	s25 =	simm.s32 $0x1B8E;
	s24 =	sld [smem:$0x3FFE];
	[sflag:s23] =	ssyncadd.s32 $0xFFFFFFFF  }
0xa9: {  	s26 =	simm.s32 $execute0_lowered;
	[smem:$0x3FD2] =	sst s25  }
0xaa: {  	s9 =	sshll.u32 s26, $0x1;
	_ =	strace $0x80000046;
	[dreg:$0x1] =	wrdreg $0xFFFFFFFF  }
0xab: {  	s28 =	simm.s32 $_size_execute0_lowered;
	s7 =	sadd.s32 s7, s9;
	[dreg:$0x0] =	wrdreg $0x0  }
0xac: {  	s9 =	sshll.u32 s28, $0x1;
	[dreg:$0x2] =	wrdreg s7  }
0xad: {  	[dreg:$0x3] =	wrdreg s9  }
0xae: {  	[dreg:$0x4] =	wrdreg $0xC0  }
0xaf: {  	_ =	task [dreg:s11], $0x5FFFF  }
0xb0: {  	[dreg:$0x1] =	wrdreg $0xFFFFFFFF  }
0xb1: {  	[dreg:$0x0] =	wrdreg $0x60  }
0xb2: {  	[dreg:$0x2] =	wrdreg s2  }
0xb3: {  	[dreg:$0x3] =	wrdreg s18  }
0xb4: {  	[dreg:$0x4] =	wrdreg s4  }
0xb5: {  	[dreg:$0x5] =	wrdreg s24  }
0xb6: {  	[dreg:$0x6] =	wrdreg s5  }
0xb7: {  	[dreg:$0x7] =	wrdreg s6  }
0xb8: {  	[dreg:$0x8] =	wrdreg $0x121000  }
0xb9: {  	[dreg:$0x9] =	wrdreg $0x9  }
0xba: {  	_ =	task.clear_ibuf [dreg:s11], $0xAFFFF;
	_ =	strace $0x90000046  }
0xbb: {  	s29 =	simm.s32 $0x9;
	_ =	strace $0x80000048  }
0xbc: {  	_ =	swait.ge [sflag:s29], $0x1  }
0xbd: {  	[sflag:s29] =	ssyncadd.s32 $0xFFFFFFFF  }
0xbe: {  	_ =	strace $0x90000048  }
0xbf: {  	_ =	sfence  }
0xc0: {  	s30 =	sld [smem:$0x0];
	_ =	sdelay $0x2  }
0xc1: {  	s31 =	sshll.u32 s1, $0xD;
	s1 =	sshrl.u32 s1, $0x2  }
0xc2: {  	s3 =	sand.u32 $0x4000, s31;
	s1 =	sadd.s32 s1, s30  }
0xc3: {  	s0 =	sor.u32 s3, s0;
	s1 =	sshll.u32 s1, $0x11  }
0xc4: {  	s0 =	sor.u32 s1, s0  }
0xc5: {  	s0 =	sadd.s32 $0x8F2B, s0  }
0xc6: {  	[sflag:s0] =	ssyncadd.remote.s32 $0x1  }
0xc7: {  	_ =	sfence.sel $0xFFFF  }
0xc8: {  	[dreg:$0x0] =	wrdreg $0xFFFFFFFF;
	(pc) =	sbr.abs _section_cstart, $3  }
0xc9: {  	[dreg:$0x1] =	wrdreg $0xFFFFFFFF  }
0xca: {  	_ =	task.clear_ibuf [dreg:s11], $0x2FFFF;
	_ =	strace $0x9FFFFFFF  }
0xcb: {  	(tm) =	ssettm $0x7FFFFFFF  }
tec
execute0_lowered:
.L_overlay_start_1:
0x0: {  	(tag) =	ssettag $0x1  }
0x1: {  	s0 =	rddreg [dreg:$0x0]  }
0x2: {  	s1 =	rddreg [dreg:$0x1]  }
0x3: {  	s5 =	rddreg [dreg:$0x2]  }
0x4: {  	s6 =	rddreg [dreg:$0x3]  }
0x5: {  	s2 =	rddreg [dreg:$0x4]  }
0x6: {  	s13 =	rddreg [dreg:$0x5]  }
0x7: {  	s3 =	rddreg [dreg:$0x6];
	s4 =	simm.s32 $0x0  }
0x8: {  	s7 =	srdreg.scid;
	s18 =	stileid.u32;
	s28 =	simm.s32 $0x4  }
0x9: {  	s29 =	simm.s32 $0x0;
	[smem:$0x7FF] =	sst s4;
	s11 =	smul.u32 $0x5000, s18  }
0xa: {  	s15 =	sand.u32 $0x1, s7;
	s6 =	sadd.s32 $0x400, s6;
	s24 =	smul.u32 $0x28000, s18  }
0xb: {  	s20 =	sshllo.u32 s18, $0x1;
	s21 =	sshll.u32 s18, $0x5;
	s25 =	smul.u32 $0x1400, s18  }
0xc: {  	p0 =	sne.s32 s18, $0xF;
	s31 =	sshll.u32 s18, $0x6;
	s9 =	smul.u32 $0x50000, s15  }
0xd: {  	_ =	strace $0x80000047;
	s7 =	ssub.s32 $0x2, s15;
	s16 =	smul.u32 $0x14000, s15  }
0xe: {  	s10 =	sshll.u32 s20, $0x4;
	s12 =	sand.u32 $0x180, s21;
	s17 =	smul.u32 $0x2800, s20  }
0xf: {  	s19 =	sor.u32 $0x1C05, s31;
	s8 =	sshrl.u32 s7, $0x1;
	s10 =	sand.u32 $0x70, s10  }
0x10: {  	s12 =	sadd.s32 s6, s12;
	s6 =	sadd.s32 s6, s21;
	s26 =	sshrl.u32 s24, $0x2  }
0x11: {  	s21 =	simm.s32 $0x80;
	s24 =	simm.s32 $0x1;
	s14 =	ssub.s32 s7, s8  }
0x12: {  	s11 =	sadd.s32 s11, s9;
	s7 =	sadd.s32 s10, s12;
	s23 =	sadd.s32 s9, s17  }
0x13: {  	s12 =	sadd.s32 s26, s3;
	s30 =	sadd.s32 s25, s16;
	s16 =	simm.s32 $0x5  }
.Ltmp0:
0x14: {  	s25 =	simm.s32 $0x2;
	s26 =	simm.s32 $0x3;
	(pc) =	sbr.rel .LBB2_1-.Ltmp0, $4  }
0x15: {  	s22 =	sshrl.u32 s11, $0x3;
	s11 =	sshrl.u32 s23, $0x3;
	s13 =	sadd.s32 s13, s30  }
0x16: {  	s14 =	smax.u32 s14, $0x1;
	s23 =	simm.s32 $0xE000;
	s8 =	sadd.s32 s1, s22  }
0x17: {  	v1 =	vlaneseq.u32;
	v0 =	vmov s15;
	s9 =	sadd.s32 s5, s22;
	s10 =	sadd.s32 s1, s11;
	s1 =	sadd.s32 $0xA0000, s3  }
0x18: {  	vm0 =	veq.s32 v0, v1;
	s11 =	sadd.s32 s5, s11;
	s22 =	simm.s32 $0xA000;
	s20 =	sshrl.u32 @!p0 s1, $0x3  }
.LBB2_4:
0x19: {  	s1 =	sshra.s32 s17, $0x2  }
0x1a: {  	[tilespmem:s23], [sflag:$0x2] =	stream.indirect.gather [hbm4b:s0+s21], $0x80, s1, s21, $0xb8;
	[tilespmem:$0x1C140] =	vst v63  }
.LBB2_5:
0x1b: {  	_ =	swait.ge [sflag:s24], $0x4000  }
0x1c: {  	[sflag:s24] =	ssyncset.done $0x0  }
0x1d: {  	[sflag:s24] =	ssyncadd.s32 $0xFFFFC000  }
0x1e: {  	_ =	swait.ge [sflag:s25], $0x4000  }
0x1f: {  	s29 =	sadd.s32 $0x1, s29;
	[sflag:s25] =	ssyncset.done $0x0  }
0x20: {  	p1 =	sne.s32 s29, s14;
	[sflag:s25] =	ssyncadd.s32 $0xFFFFC000  }
.Ltmp1:
0x21: {  	[bflag:$0x0] =	sbarrier.arrive $0xFFFF;
	(pc) =	sbr.rel @!p1 .LBB2_6-.Ltmp1, $4  }
0x22: {  	[hbm:s13], [sflag:s19] =	dma.local [spmem:s30], $0x1400  }
0x23: {  	_ =	swait.ge [sflag:s16], $0x1400  }
0x24: {  	[sflag:s16] =	ssyncset.done $0x0  }
0x25: {  	[sflag:s16] =	ssyncadd.s32 $0xFFFFEC00  }
.LBB2_1:
0x26: {  	s1 =	simm.s32 $0x12000  }
0x27: {  	[tilespmem:s1], [sflag:$0x5] =	stream.linear.gather [hbm4b:s6+s4], $0x80, $0x38;
	[tilespmem:$0x1C140] =	vst v63  }
0x28: {  	_ =	swait.ge [sflag:s16], $0x80  }
0x29: {  	[sflag:s16] =	ssyncset.done $0x0  }
0x2a: {  	s15 =	simm.s32 $0x12080;
	[sflag:s16] =	ssyncadd.s32 $0xFFFFFF80  }
0x2b: {  	[tilespmem:s15], [sflag:$0x5] =	stream.linear.gather [hbm4b:s7+s4], $0x80, $0x38;
	[tilespmem:$0x1C140] =	vst v63  }
0x2c: {  	_ =	swait.ge [sflag:s16], $0x80  }
0x2d: {  	[sflag:s16] =	ssyncset.done $0x0  }
0x2e: {  	[sflag:s16] =	ssyncadd.s32 $0xFFFFFF80  }
0x2f: {  	v0 =	vld [tilespmem:$0x12000]  }
0x30: {  	v1 =	vld [tilespmem:$0x12080];
	_ =	sdelay $0x3  }
0x31: {  	v0 =	vnsel vm0, $0x0, v0  }
0x32: {  	v61 =	vnsel vm0, $0x0, v1;
	(xrf0) =	vadd.scan.msk.s32 $0xffff, v0  }
0x33: {  	(xrf0) =	vadd.scan.msk.s32 $0xffff, v61;
	_ =	sdelay $0x4  }
0x34: {  	v62, _, _ =	vpop (xrf0)  }
0x35: {  	(v2sf) =	vpush v62, $0xF;
	v63, _, _ =	vpop (xrf0)  }
0x36: {  	(v2sf) =	vpush v63, $0xF;
	_ =	sdelay $0xc  }
0x37: {  	[tilespmem:s4], [sflag:$0x5] =	stream.linear.gather [hbm4b:s8+s4], $0x2800, $0x38;
	[tilespmem:$0x1C140] =	vst v63  }
0x38: {  	s17 =	spop (v2sf)  }
0x39: {  	s5 =	spop (v2sf)  }
0x3a: {  	_ =	swait.ge [sflag:s16], $0x2800  }
0x3b: {  	[sflag:s16] =	ssyncset.done $0x0  }
0x3c: {  	s15 =	simm.s32 $0x5000;
	[sflag:s16] =	ssyncadd.s32 $0xFFFFD800  }
0x3d: {  	[tilespmem:s15], [sflag:$0x5] =	stream.linear.gather [hbm4b:s9+s4], $0x2800, $0x38;
	[tilespmem:$0x1C140] =	vst v63  }
0x3e: {  	_ =	swait.ge [sflag:s16], $0x2800  }
0x3f: {  	[sflag:s16] =	ssyncset.done $0x0  }
0x40: {  	s18 =	sshll.u32 s17, $0x7;
	[sflag:s16] =	ssyncadd.s32 $0xFFFFD800  }
0x41: {  	[tilespmem:s18], [sflag:$0x5] =	stream.linear.gather [hbm4b:s10+s4], $0x2800, $0x38;
	[tilespmem:$0x1C140] =	vst v63  }
0x42: {  	_ =	swait.ge [sflag:s16], $0x2800  }
0x43: {  	[sflag:s16] =	ssyncset.done $0x0  }
0x44: {  	s15 =	sadd.s32 $0x5000, s18;
	[sflag:s16] =	ssyncadd.s32 $0xFFFFD800  }
0x45: {  	[tilespmem:s15], [sflag:$0x5] =	stream.linear.gather [hbm4b:s11+s4], $0x2800, $0x38;
	[tilespmem:$0x1C140] =	vst v63  }
0x46: {  	_ =	swait.ge [sflag:s16], $0x2800  }
0x47: {  	[sflag:s16] =	ssyncset.done $0x0  }
0x48: {  	s30 =	sshrl.u32 s12, $0x3;
	[sflag:s16] =	ssyncadd.s32 $0xFFFFD800  }
0x49: {  	[spmem:s30], [sflag:s19] =	dma.local [hbm:s2], $0x1400  }
0x4a: {  	s1 =	sadd.s32 s17, s5;
	_ =	swait.ge [sflag:s16], $0x1400  }
0x4b: {  	s5 =	sand.u32 $0x1, s1;
	[sflag:s16] =	ssyncset.done $0x0  }
0x4c: {  	p1 =	slt.s32 s1, $0x1;
	s15 =	simm.s32 @!p0 $0x5;
	[sflag:s16] =	ssyncadd.s32 $0xFFFFEC00  }
0x4d: {  	[spmem:s20], [sflag:s19] =	dma.local @!p0 [hbm:s2], $0x80  }
0x4e: {  	s31 =	sshrl.u32 s1, $0x1F;
	p2 =	seq.s32 s5, $0x1;
	_ =	swait.ge @!p0 [sflag:s15], $0x80  }
0x4f: {  	s5 =	sadd.s32 s31, s1;
	p1 =	por !p1, !p2;
	[sflag:s15] =	ssyncset.done @!p0 $0x0  }
0x50: {  	p1 =	por !p1, !p1;
	[sflag:s15] =	ssyncadd.s32 @!p0 $0xFFFFFF80;
	s15 =	simm.s32 $0x1  }
0x51: {  	s5 =	sshra.s32 s5, $0x1;
	s15 =	simm.s32 @!p1 $0x0  }
0x52: {  	s5 =	ssub.s32 s5, s15  }
0x53: {  	p1 =	slt.s32 s5, $0x1  }
.Ltmp2:
0x54: {  	_ = 	snop;
	(pc) =	sbr.rel @p1 .LBB2_5-.Ltmp2, $4  }
0x55: {  	[bflag:$0x0] =	sbarrier.arrive $0xFFFF  }
0x56: {  	[tilespmem:s22], [sflag:$0x1] =	stream.indirect.gather [hbm4b:s0+s21], $0x80, s4, s21, $0xb8;
	[tilespmem:$0x1C140] =	vst v63  }
0x57: {  	_ = 	snop  }
0x58: {  	[tilespmem:s23], [sflag:$0x2] =	stream.indirect.gather [hbm4b:s0+s21], $0x80, s21, s21, $0xb8;
	[tilespmem:$0x1C140] =	vst v63  }
0x59: {  	_ =	swait.ge [sflag:s24], $0x4000  }
0x5a: {  	[sflag:s24] =	ssyncset.done $0x0  }
0x5b: {  	s15 =	simm.s32 $0x5000;
	[sflag:s24] =	ssyncadd.s32 $0xFFFFC000  }
0x5c: {  	[spmem:s3] =	stream.indirect.scatter.add.f32 [tilespmem:s22], [sflag:$0x3], $0x80, s15, s21, $0xb8;
	[tilespmem:$0x1C140] =	vst v63  }
0x5d: {  	_ =	swait.ge [sflag:s25], $0x4000  }
0x5e: {  	s31 =	sadd.s32 $0xFFFFFFFF, s1;
	s1 =	simm.s32 $0x5080;
	[sflag:s25] =	ssyncset.done $0x0  }
0x5f: {  	p1 =	sgt.s32 s31, $0x2;
	s15 =	smov.u32 s31;
	[sflag:s25] =	ssyncadd.s32 $0xFFFFC000  }
0x60: {  	[spmem:s3] =	stream.indirect.scatter.add.f32 [tilespmem:s23], [sflag:$0x4], $0x80, s1, s21, $0xb8;
	[tilespmem:$0x1C140] =	vst v63  }
0x61: {  	p2 =	sgt.s32 s31, $0x3;
	s15 =	smov.u32 @p1 s25;
	_ =	swait.ge [sflag:s26], $0x4000  }
0x62: {  	p1 =	sne.s32 s5, $0x1;
	s15 =	sshll.u32 s15, $0x9;
	[sflag:s26] =	ssyncset.done $0x0  }
.Ltmp3:
0x63: {  	s15 =	sshra.s32 s15, $0x2;
	[sflag:s26] =	ssyncadd.s32 $0xFFFFC000;
	(pc) =	sbr.rel @!p1 .LBB2_4-.Ltmp3, $4  }
0x64: {  	[tilespmem:s22], [sflag:$0x1] =	stream.indirect.gather [hbm4b:s0+s21], $0x80, s15, s21, $0xb8;
	[tilespmem:$0x1C140] =	vst v63  }
0x65: {  	s17 =	smov.u32 s31;
	s15 =	simm.s32 $0x3;
	_ =	swait.ge [sflag:s28], $0x4000  }
0x66: {  	s5 =	sadd.s32 $0xFFFFFFFF, s5;
	s17 =	smov.u32 @p2 s15;
	[sflag:s28] =	ssyncset.done $0x0  }
0x67: {  	s15 =	simm.s32 $0x2;
	s17 =	sshll.u32 s17, $0x9;
	[sflag:s28] =	ssyncadd.s32 $0xFFFFC000  }
.LBB2_3:
0x68: {  	s17 =	sshra.s32 s17, $0x2;
	s1 =	sadd.s32 $0x100, s1;
	s15 =	sadd.s32 $0x2, s15  }
0x69: {  	[tilespmem:s23], [sflag:$0x2] =	stream.indirect.gather [hbm4b:s0+s21], $0x80, s17, s21, $0xb8;
	[tilespmem:$0x1C140] =	vst v63  }
0x6a: {  	p1 =	sne.s32 s5, $0x1;
	s5 =	sadd.s32 $0xFFFFFFFF, s5;
	_ =	swait.ge [sflag:s24], $0x4000  }
0x6b: {  	[sflag:s24] =	ssyncset.done $0x0  }
0x6c: {  	s17 =	sadd.s32 $0xFFFFFF80, s1;
	[sflag:s24] =	ssyncadd.s32 $0xFFFFC000  }
0x6d: {  	[spmem:s3] =	stream.indirect.scatter.add.f32 [tilespmem:s22], [sflag:$0x3], $0x80, s17, s21, $0xb8;
	[tilespmem:$0x1C140] =	vst v63  }
0x6e: {  	_ =	swait.ge [sflag:s25], $0x4000  }
0x6f: {  	[sflag:s25] =	ssyncset.done $0x0  }
0x70: {  	p2 =	slt.s32 s15, s31;
	s17 =	smov.u32 s31;
	[sflag:s25] =	ssyncadd.s32 $0xFFFFC000  }
0x71: {  	[spmem:s3] =	stream.indirect.scatter.add.f32 [tilespmem:s23], [sflag:$0x4], $0x80, s1, s21, $0xb8;
	[tilespmem:$0x1C140] =	vst v63  }
0x72: {  	s17 =	smov.u32 @p2 s15;
	_ =	swait.ge [sflag:s26], $0x4000  }
0x73: {  	s18 =	sadd.s32 $0x1, s15;
	s17 =	sshll.u32 s17, $0x9;
	[sflag:s26] =	ssyncset.done $0x0  }
.Ltmp4:
0x74: {  	s17 =	sshra.s32 s17, $0x2;
	[sflag:s26] =	ssyncadd.s32 $0xFFFFC000;
	(pc) =	sbr.rel @p1 .LBB2_3-.Ltmp4, $4  }
0x75: {  	[tilespmem:s22], [sflag:$0x1] =	stream.indirect.gather [hbm4b:s0+s21], $0x80, s17, s21, $0xb8;
	[tilespmem:$0x1C140] =	vst v63  }
0x76: {  	p2 =	slt.s32 s18, s31;
	s17 =	smov.u32 s31;
	_ =	swait.ge [sflag:s28], $0x4000  }
0x77: {  	s17 =	smov.u32 @p2 s18;
	[sflag:s28] =	ssyncset.done $0x0  }
0x78: {  	s17 =	sshll.u32 s17, $0x9;
	[sflag:s28] =	ssyncadd.s32 $0xFFFFC000  }
.Ltmp5:
0x79: {  	_ = 	snop;
	(pc) =	sbr.rel .LBB2_4-.Ltmp5, $1  }
0x7a: {  	_ =	sdelay $0x3  }
.LBB2_6:
0x7b: {  	_ =	sfence.sel $0x180000  }
0x7c: {  	[bflag:$0x0] =	sbarrier.arrive $0xFFFF  }
0x7d: {  	_ =	strace $0x90000047  }
0x7e: {  	s0 =	stileid.u32;
	[bflag:$0x2] =	sbarrier.arrive $0xFFFF  }
0x7f: {  	p0 =	sne.s32 s0, $0x0;
	s0 =	rddreg [dreg:$0x7]  }
0x80: {  	s0 =	sadd.s32 @!p0 $0x100000, s0  }
0x81: {  	[sflag:s0] =	ssyncadd.tile.s32 @!p0 $0x1;
	_ =	shalt  }
.Lfunc_end2:
_tile_overlayer_lowered:
.L_overlay_start_2:
0x82: {  	(tag) =	ssettag $0x2  }
0x83: {  	s0 =	rddreg [dreg:$0x0];
	s2 =	stileid.u32  }
0x84: {  	s1 =	rddreg [dreg:$0x1];
	p0 =	sne.s32 s2, $0x0  }
0x85: {  	s3 =	rddreg [dreg:$0x2];
	[bflag:$0x3] =	sbarrier.arrive $0xFFFF;
	s2 =	simm.s32 @!p0 $0x1C05  }
0x86: {  	[timem:s3], [sflag:s2] =	dma.local @!p0 [hbm:s0], s1  }
0x87: {  	s0 =	simm.s32 @!p0 $0x5  }
0x88: {  	_ =	swait.ge @!p0 [sflag:s0], s1  }
0x89: {  	s1 =	ssub.s32 @!p0 $0x0, s1;
	[sflag:s0] =	ssyncset.done @!p0 $0x0  }
0x8a: {  	[sflag:s0] =	ssyncadd.s32 @!p0 s1  }
0x8b: {  	[bflag:$0x3] =	sbarrier.arrive $0xFFFF  }
0x8c: {  	_ =	shalt  }

</sc_bundles>
